<compile_context>
chip_gen: v7x
topology: tpu7x:2x2x1
jax: 0.10.2.dev20260603
libtpu: 0.0.44.dev20260713+nightly
codegen_flags: <defaults>
</compile_context>

<pallas_src>
import functools

import jax
import jax.numpy as jnp
from jax import lax
from jax.experimental import pallas as pl
from jax.experimental.pallas import tpu as pltpu
from jax.experimental.pallas import tpu_sc as plsc

_POS_OFFSET = 2


def kernel(input, weights):
    b, t = input.shape
    d = weights.shape[1]

    NC, NS = 2, 16
    NW = NC * NS
    rows_per_w = t // NW
    CHUNK = 64
    NBUF = 2
    n_chunks = rows_per_w // CHUNK
    L = 16
    mesh = plsc.VectorSubcoreMesh(core_axis_name="c", subcore_axis_name="s")

    @functools.partial(
        pl.kernel,
        mesh=mesh,
        out_type=jax.ShapeDtypeStruct((b, t, d), weights.dtype),
        scratch_types=[
            [pltpu.VMEM((CHUNK, d), weights.dtype) for _ in range(NBUF)],
            [pltpu.VMEM((CHUNK,), jnp.int32) for _ in range(n_chunks)],
            [pltpu.SemaphoreType.DMA for _ in range(NBUF)],
            [pltpu.SemaphoreType.DMA for _ in range(NBUF)],
        ],
    )
    def _posemb(w_hbm, out_hbm, bufs, idxs, sins, souts):
        wid = lax.axis_index("s") * NC + lax.axis_index("c")
        base = wid * rows_per_w

        lane = lax.iota(jnp.int32, L)
        for ci in range(n_chunks):
            for j in range(CHUNK // L):
                idxs[ci][pl.ds(j * L, L)] = (
                    _POS_OFFSET + base + ci * CHUNK + j * L) + lane

        def start_in(ci):
            return pltpu.async_copy(
                w_hbm.at[idxs[ci]], bufs[ci % NBUF], sins[ci % NBUF])

        def start_outs(ci):
            r0 = base + ci * CHUNK
            return [
                pltpu.async_copy(
                    bufs[ci % NBUF],
                    out_hbm.at[bi, pl.ds(r0, CHUNK)],
                    souts[ci % NBUF])
                for bi in range(b)
            ]

        ins, outs = {}, {}
        for ci in range(min(NBUF, n_chunks)):
            ins[ci] = start_in(ci)
        for ci in range(min(NBUF, n_chunks)):
            ins[ci].wait()
            outs[ci] = start_outs(ci)
        for ci in range(NBUF, n_chunks):
            for cp in outs[ci - NBUF]:
                cp.wait()
            ins[ci] = start_in(ci)
            ins[ci].wait()
            outs[ci] = start_outs(ci)
        for ci in range(max(0, n_chunks - NBUF), n_chunks):
            for cp in outs[ci]:
                cp.wait()

    return _posemb(weights)

# --- scband reference (transcript-rebuilt; emitter-appended) ---
"""Pipeline reference for scband-positional-embedding-33200097198561 (READ-ONLY COPY).

The authoritative reference and input builder live on the scoring server;
editing this copy changes nothing except your own understanding.
"""

import jax, jax.numpy as jnp
import numpy as np

MAX_POSITIONS = 8192
EMBED_DIM = 768
PADDING_IDX = 1
B = 4
T = 8192


def setup_inputs(seed: int = 0) -> dict:
    key = jax.random.key(seed)
    k1, k2 = jax.random.split(key)
    inp = jax.random.randint(k1, (B, T), 0, 8192)
    weights = jax.random.normal(k2, (MAX_POSITIONS + PADDING_IDX + 1, EMBED_DIM), dtype=jnp.float32) * (EMBED_DIM ** -0.5)
    weights = weights.at[PADDING_IDX].set(0.0)
    return {"input": inp, "weights": weights}


def reference(input, weights):
    # input: [B, T] token indices (values unused; only shape matters, matching torch module)
    b, t = input.shape
    positions = jnp.arange(t, dtype=jnp.int32) + PADDING_IDX + 1
    positions = jnp.broadcast_to(positions[None, :], (b, t))
    # embedding lookup -> gather rows from the positional table
    return jnp.take(weights, positions, axis=0)

if __name__ == "__main__":
    import jax
    _d = setup_inputs()
    print(jax.jit(kernel)(*tuple(_d.values())))

</pallas_src>

<mosaic_0001>
#map = affine_map<(d0, d1) -> (0, 0)>
#map1 = affine_map<(d0, d1) -> (0, 0, 0)>
module attributes {stable_mosaic.version = 14 : i64} {
  func.func @_posemb(%arg0: i32, %arg1: i32, %arg2: memref<8194x768xf32, #tpu.memory_space<hbm>>, %arg3: memref<4x8192x768xf32, #tpu.memory_space<hbm>>, %arg4: memref<64x768xf32, #tpu.memory_space<vmem>>, %arg5: memref<64x768xf32, #tpu.memory_space<vmem>>, %arg6: memref<64xi32, #tpu.memory_space<vmem>>, %arg7: memref<64xi32, #tpu.memory_space<vmem>>, %arg8: memref<64xi32, #tpu.memory_space<vmem>>, %arg9: memref<64xi32, #tpu.memory_space<vmem>>, %arg10: memref<!tpu.dma_semaphore, #tpu.memory_space<semaphore_mem>>, %arg11: memref<!tpu.dma_semaphore, #tpu.memory_space<semaphore_mem>>, %arg12: memref<!tpu.dma_semaphore, #tpu.memory_space<semaphore_mem>>, %arg13: memref<!tpu.dma_semaphore, #tpu.memory_space<semaphore_mem>>) attributes {dimension_semantics = [#tpu.dimension_semantics<core_parallel>, #tpu.dimension_semantics<subcore_parallel>], iteration_bounds = array<i64: 2, 16>, scalar_prefetch = 0 : i64, scratch_operands = 10 : i64, tpu.core_type = #tpu.core_type<sc_vector_subcore>, window_params = [{transform_indices = #map}, {transform_indices = #map1}]} {
    %mul3A = arith.constant 2 : i32
    %mul3A_0 = arith.muli %arg1, %mul3A : i32
    %add3A = arith.addi %mul3A_0, %arg0 : i32
    %mul3A_1 = arith.constant 256 : i32
    %mul3A_2 = arith.muli %add3A, %mul3A_1 : i32
    %iota3A = tpu.iota {dimensions = array<i32: 0>} : vector<16xi32>
    %add3A_3 = arith.constant 2 : i32
    %add3A_4 = arith.addi %add3A_3, %mul3A_2 : i32
    %add3A_5 = arith.constant 0 : i32
    %add3A_6 = arith.addi %add3A_4, %add3A_5 : i32
    %add3A_7 = arith.constant 0 : i32
    %add3A_8 = arith.addi %add3A_6, %add3A_7 : i32
    %add3A_9 = vector.broadcast %add3A_8 : i32 to vector<16xi32>
    %add3A_10 = arith.addi %add3A_9, %iota3A : vector<16xi32>
    %swap3A = arith.constant 0 : index
    %swap3A_11 = tpu.vector_load %arg6[%swap3A] {strides = array<i32>} : memref<64xi32, #tpu.memory_space<vmem>>, vector<16xi32>,
    %swap3A_12 = vector.shape_cast %swap3A_11 : vector<16xi32> to vector<16xi32>
    %swap3A_13 = vector.shape_cast %add3A_10 : vector<16xi32> to vector<16xi32>
    tpu.vector_store %arg6[%swap3A], %swap3A_13 {strides = array<i32>} : memref<64xi32, #tpu.memory_space<vmem>>, vector<16xi32>,
    %add3A_14 = arith.constant 2 : i32
    %add3A_15 = arith.addi %add3A_14, %mul3A_2 : i32
    %add3A_16 = arith.constant 0 : i32
    %add3A_17 = arith.addi %add3A_15, %add3A_16 : i32
    %add3A_18 = arith.constant 16 : i32
    %add3A_19 = arith.addi %add3A_17, %add3A_18 : i32
    %add3A_20 = vector.broadcast %add3A_19 : i32 to vector<16xi32>
    %add3A_21 = arith.addi %add3A_20, %iota3A : vector<16xi32>
    %swap3A_22 = arith.constant 16 : index
    %swap3A_23 = tpu.vector_load %arg6[%swap3A_22] {strides = array<i32>} : memref<64xi32, #tpu.memory_space<vmem>>, vector<16xi32>,
    %swap3A_24 = vector.shape_cast %swap3A_23 : vector<16xi32> to vector<16xi32>
    %swap3A_25 = vector.shape_cast %add3A_21 : vector<16xi32> to vector<16xi32>
    tpu.vector_store %arg6[%swap3A_22], %swap3A_25 {strides = array<i32>} : memref<64xi32, #tpu.memory_space<vmem>>, vector<16xi32>,
    %add3A_26 = arith.constant 2 : i32
    %add3A_27 = arith.addi %add3A_26, %mul3A_2 : i32
    %add3A_28 = arith.constant 0 : i32
    %add3A_29 = arith.addi %add3A_27, %add3A_28 : i32
    %add3A_30 = arith.constant 32 : i32
    %add3A_31 = arith.addi %add3A_29, %add3A_30 : i32
    %add3A_32 = vector.broadcast %add3A_31 : i32 to vector<16xi32>
    %add3A_33 = arith.addi %add3A_32, %iota3A : vector<16xi32>
    %swap3A_34 = arith.constant 32 : index
    %swap3A_35 = tpu.vector_load %arg6[%swap3A_34] {strides = array<i32>} : memref<64xi32, #tpu.memory_space<vmem>>, vector<16xi32>,
    %swap3A_36 = vector.shape_cast %swap3A_35 : vector<16xi32> to vector<16xi32>
    %swap3A_37 = vector.shape_cast %add3A_33 : vector<16xi32> to vector<16xi32>
    tpu.vector_store %arg6[%swap3A_34], %swap3A_37 {strides = array<i32>} : memref<64xi32, #tpu.memory_space<vmem>>, vector<16xi32>,
    %add3A_38 = arith.constant 2 : i32
    %add3A_39 = arith.addi %add3A_38, %mul3A_2 : i32
    %add3A_40 = arith.constant 0 : i32
    %add3A_41 = arith.addi %add3A_39, %add3A_40 : i32
    %add3A_42 = arith.constant 48 : i32
    %add3A_43 = arith.addi %add3A_41, %add3A_42 : i32
    %add3A_44 = vector.broadcast %add3A_43 : i32 to vector<16xi32>
    %add3A_45 = arith.addi %add3A_44, %iota3A : vector<16xi32>
    %swap3A_46 = arith.constant 48 : index
    %swap3A_47 = tpu.vector_load %arg6[%swap3A_46] {strides = array<i32>} : memref<64xi32, #tpu.memory_space<vmem>>, vector<16xi32>,
    %swap3A_48 = vector.shape_cast %swap3A_47 : vector<16xi32> to vector<16xi32>
    %swap3A_49 = vector.shape_cast %add3A_45 : vector<16xi32> to vector<16xi32>
    tpu.vector_store %arg6[%swap3A_46], %swap3A_49 {strides = array<i32>} : memref<64xi32, #tpu.memory_space<vmem>>, vector<16xi32>,
    %add3A_50 = arith.constant 2 : i32
    %add3A_51 = arith.addi %add3A_50, %mul3A_2 : i32
    %add3A_52 = arith.constant 64 : i32
    %add3A_53 = arith.addi %add3A_51, %add3A_52 : i32
    %add3A_54 = arith.constant 0 : i32
    %add3A_55 = arith.addi %add3A_53, %add3A_54 : i32
    %add3A_56 = vector.broadcast %add3A_55 : i32 to vector<16xi32>
    %add3A_57 = arith.addi %add3A_56, %iota3A : vector<16xi32>
    %swap3A_58 = arith.constant 0 : index
    %swap3A_59 = tpu.vector_load %arg7[%swap3A_58] {strides = array<i32>} : memref<64xi32, #tpu.memory_space<vmem>>, vector<16xi32>,
    %swap3A_60 = vector.shape_cast %swap3A_59 : vector<16xi32> to vector<16xi32>
    %swap3A_61 = vector.shape_cast %add3A_57 : vector<16xi32> to vector<16xi32>
    tpu.vector_store %arg7[%swap3A_58], %swap3A_61 {strides = array<i32>} : memref<64xi32, #tpu.memory_space<vmem>>, vector<16xi32>,
    %add3A_62 = arith.constant 2 : i32
    %add3A_63 = arith.addi %add3A_62, %mul3A_2 : i32
    %add3A_64 = arith.constant 64 : i32
    %add3A_65 = arith.addi %add3A_63, %add3A_64 : i32
    %add3A_66 = arith.constant 16 : i32
    %add3A_67 = arith.addi %add3A_65, %add3A_66 : i32
    %add3A_68 = vector.broadcast %add3A_67 : i32 to vector<16xi32>
    %add3A_69 = arith.addi %add3A_68, %iota3A : vector<16xi32>
    %swap3A_70 = arith.constant 16 : index
    %swap3A_71 = tpu.vector_load %arg7[%swap3A_70] {strides = array<i32>} : memref<64xi32, #tpu.memory_space<vmem>>, vector<16xi32>,
    %swap3A_72 = vector.shape_cast %swap3A_71 : vector<16xi32> to vector<16xi32>
    %swap3A_73 = vector.shape_cast %add3A_69 : vector<16xi32> to vector<16xi32>
    tpu.vector_store %arg7[%swap3A_70], %swap3A_73 {strides = array<i32>} : memref<64xi32, #tpu.memory_space<vmem>>, vector<16xi32>,
    %add3A_74 = arith.constant 2 : i32
    %add3A_75 = arith.addi %add3A_74, %mul3A_2 : i32
    %add3A_76 = arith.constant 64 : i32
    %add3A_77 = arith.addi %add3A_75, %add3A_76 : i32
    %add3A_78 = arith.constant 32 : i32
    %add3A_79 = arith.addi %add3A_77, %add3A_78 : i32
    %add3A_80 = vector.broadcast %add3A_79 : i32 to vector<16xi32>
    %add3A_81 = arith.addi %add3A_80, %iota3A : vector<16xi32>
    %swap3A_82 = arith.constant 32 : index
    %swap3A_83 = tpu.vector_load %arg7[%swap3A_82] {strides = array<i32>} : memref<64xi32, #tpu.memory_space<vmem>>, vector<16xi32>,
    %swap3A_84 = vector.shape_cast %swap3A_83 : vector<16xi32> to vector<16xi32>
    %swap3A_85 = vector.shape_cast %add3A_81 : vector<16xi32> to vector<16xi32>
    tpu.vector_store %arg7[%swap3A_82], %swap3A_85 {strides = array<i32>} : memref<64xi32, #tpu.memory_space<vmem>>, vector<16xi32>,
    %add3A_86 = arith.constant 2 : i32
    %add3A_87 = arith.addi %add3A_86, %mul3A_2 : i32
    %add3A_88 = arith.constant 64 : i32
    %add3A_89 = arith.addi %add3A_87, %add3A_88 : i32
    %add3A_90 = arith.constant 48 : i32
    %add3A_91 = arith.addi %add3A_89, %add3A_90 : i32
    %add3A_92 = vector.broadcast %add3A_91 : i32 to vector<16xi32>
    %add3A_93 = arith.addi %add3A_92, %iota3A : vector<16xi32>
    %swap3A_94 = arith.constant 48 : index
    %swap3A_95 = tpu.vector_load %arg7[%swap3A_94] {strides = array<i32>} : memref<64xi32, #tpu.memory_space<vmem>>, vector<16xi32>,
    %swap3A_96 = vector.shape_cast %swap3A_95 : vector<16xi32> to vector<16xi32>
    %swap3A_97 = vector.shape_cast %add3A_93 : vector<16xi32> to vector<16xi32>
    tpu.vector_store %arg7[%swap3A_94], %swap3A_97 {strides = array<i32>} : memref<64xi32, #tpu.memory_space<vmem>>, vector<16xi32>,
    %add3A_98 = arith.constant 2 : i32
    %add3A_99 = arith.addi %add3A_98, %mul3A_2 : i32
    %add3A_100 = arith.constant 128 : i32
    %add3A_101 = arith.addi %add3A_99, %add3A_100 : i32
    %add3A_102 = arith.constant 0 : i32
    %add3A_103 = arith.addi %add3A_101, %add3A_102 : i32
    %add3A_104 = vector.broadcast %add3A_103 : i32 to vector<16xi32>
    %add3A_105 = arith.addi %add3A_104, %iota3A : vector<16xi32>
    %swap3A_106 = arith.constant 0 : index
    %swap3A_107 = tpu.vector_load %arg8[%swap3A_106] {strides = array<i32>} : memref<64xi32, #tpu.memory_space<vmem>>, vector<16xi32>,
    %swap3A_108 = vector.shape_cast %swap3A_107 : vector<16xi32> to vector<16xi32>
    %swap3A_109 = vector.shape_cast %add3A_105 : vector<16xi32> to vector<16xi32>
    tpu.vector_store %arg8[%swap3A_106], %swap3A_109 {strides = array<i32>} : memref<64xi32, #tpu.memory_space<vmem>>, vector<16xi32>,
    %add3A_110 = arith.constant 2 : i32
    %add3A_111 = arith.addi %add3A_110, %mul3A_2 : i32
    %add3A_112 = arith.constant 128 : i32
    %add3A_113 = arith.addi %add3A_111, %add3A_112 : i32
    %add3A_114 = arith.constant 16 : i32
    %add3A_115 = arith.addi %add3A_113, %add3A_114 : i32
    %add3A_116 = vector.broadcast %add3A_115 : i32 to vector<16xi32>
    %add3A_117 = arith.addi %add3A_116, %iota3A : vector<16xi32>
    %swap3A_118 = arith.constant 16 : index
    %swap3A_119 = tpu.vector_load %arg8[%swap3A_118] {strides = array<i32>} : memref<64xi32, #tpu.memory_space<vmem>>, vector<16xi32>,
    %swap3A_120 = vector.shape_cast %swap3A_119 : vector<16xi32> to vector<16xi32>
    %swap3A_121 = vector.shape_cast %add3A_117 : vector<16xi32> to vector<16xi32>
    tpu.vector_store %arg8[%swap3A_118], %swap3A_121 {strides = array<i32>} : memref<64xi32, #tpu.memory_space<vmem>>, vector<16xi32>,
    %add3A_122 = arith.constant 2 : i32
    %add3A_123 = arith.addi %add3A_122, %mul3A_2 : i32
    %add3A_124 = arith.constant 128 : i32
    %add3A_125 = arith.addi %add3A_123, %add3A_124 : i32
    %add3A_126 = arith.constant 32 : i32
    %add3A_127 = arith.addi %add3A_125, %add3A_126 : i32
    %add3A_128 = vector.broadcast %add3A_127 : i32 to vector<16xi32>
    %add3A_129 = arith.addi %add3A_128, %iota3A : vector<16xi32>
    %swap3A_130 = arith.constant 32 : index
    %swap3A_131 = tpu.vector_load %arg8[%swap3A_130] {strides = array<i32>} : memref<64xi32, #tpu.memory_space<vmem>>, vector<16xi32>,
    %swap3A_132 = vector.shape_cast %swap3A_131 : vector<16xi32> to vector<16xi32>
    %swap3A_133 = vector.shape_cast %add3A_129 : vector<16xi32> to vector<16xi32>
    tpu.vector_store %arg8[%swap3A_130], %swap3A_133 {strides = array<i32>} : memref<64xi32, #tpu.memory_space<vmem>>, vector<16xi32>,
    %add3A_134 = arith.constant 2 : i32
    %add3A_135 = arith.addi %add3A_134, %mul3A_2 : i32
    %add3A_136 = arith.constant 128 : i32
    %add3A_137 = arith.addi %add3A_135, %add3A_136 : i32
    %add3A_138 = arith.constant 48 : i32
    %add3A_139 = arith.addi %add3A_137, %add3A_138 : i32
    %add3A_140 = vector.broadcast %add3A_139 : i32 to vector<16xi32>
    %add3A_141 = arith.addi %add3A_140, %iota3A : vector<16xi32>
    %swap3A_142 = arith.constant 48 : index
    %swap3A_143 = tpu.vector_load %arg8[%swap3A_142] {strides = array<i32>} : memref<64xi32, #tpu.memory_space<vmem>>, vector<16xi32>,
    %swap3A_144 = vector.shape_cast %swap3A_143 : vector<16xi32> to vector<16xi32>
    %swap3A_145 = vector.shape_cast %add3A_141 : vector<16xi32> to vector<16xi32>
    tpu.vector_store %arg8[%swap3A_142], %swap3A_145 {strides = array<i32>} : memref<64xi32, #tpu.memory_space<vmem>>, vector<16xi32>,
    %add3A_146 = arith.constant 2 : i32
    %add3A_147 = arith.addi %add3A_146, %mul3A_2 : i32
    %add3A_148 = arith.constant 192 : i32
    %add3A_149 = arith.addi %add3A_147, %add3A_148 : i32
    %add3A_150 = arith.constant 0 : i32
    %add3A_151 = arith.addi %add3A_149, %add3A_150 : i32
    %add3A_152 = vector.broadcast %add3A_151 : i32 to vector<16xi32>
    %add3A_153 = arith.addi %add3A_152, %iota3A : vector<16xi32>
    %swap3A_154 = arith.constant 0 : index
    %swap3A_155 = tpu.vector_load %arg9[%swap3A_154] {strides = array<i32>} : memref<64xi32, #tpu.memory_space<vmem>>, vector<16xi32>,
    %swap3A_156 = vector.shape_cast %swap3A_155 : vector<16xi32> to vector<16xi32>
    %swap3A_157 = vector.shape_cast %add3A_153 : vector<16xi32> to vector<16xi32>
    tpu.vector_store %arg9[%swap3A_154], %swap3A_157 {strides = array<i32>} : memref<64xi32, #tpu.memory_space<vmem>>, vector<16xi32>,
    %add3A_158 = arith.constant 2 : i32
    %add3A_159 = arith.addi %add3A_158, %mul3A_2 : i32
    %add3A_160 = arith.constant 192 : i32
    %add3A_161 = arith.addi %add3A_159, %add3A_160 : i32
    %add3A_162 = arith.constant 16 : i32
    %add3A_163 = arith.addi %add3A_161, %add3A_162 : i32
    %add3A_164 = vector.broadcast %add3A_163 : i32 to vector<16xi32>
    %add3A_165 = arith.addi %add3A_164, %iota3A : vector<16xi32>
    %swap3A_166 = arith.constant 16 : index
    %swap3A_167 = tpu.vector_load %arg9[%swap3A_166] {strides = array<i32>} : memref<64xi32, #tpu.memory_space<vmem>>, vector<16xi32>,
    %swap3A_168 = vector.shape_cast %swap3A_167 : vector<16xi32> to vector<16xi32>
    %swap3A_169 = vector.shape_cast %add3A_165 : vector<16xi32> to vector<16xi32>
    tpu.vector_store %arg9[%swap3A_166], %swap3A_169 {strides = array<i32>} : memref<64xi32, #tpu.memory_space<vmem>>, vector<16xi32>,
    %add3A_170 = arith.constant 2 : i32
    %add3A_171 = arith.addi %add3A_170, %mul3A_2 : i32
    %add3A_172 = arith.constant 192 : i32
    %add3A_173 = arith.addi %add3A_171, %add3A_172 : i32
    %add3A_174 = arith.constant 32 : i32
    %add3A_175 = arith.addi %add3A_173, %add3A_174 : i32
    %add3A_176 = vector.broadcast %add3A_175 : i32 to vector<16xi32>
    %add3A_177 = arith.addi %add3A_176, %iota3A : vector<16xi32>
    %swap3A_178 = arith.constant 32 : index
    %swap3A_179 = tpu.vector_load %arg9[%swap3A_178] {strides = array<i32>} : memref<64xi32, #tpu.memory_space<vmem>>, vector<16xi32>,
    %swap3A_180 = vector.shape_cast %swap3A_179 : vector<16xi32> to vector<16xi32>
    %swap3A_181 = vector.shape_cast %add3A_177 : vector<16xi32> to vector<16xi32>
    tpu.vector_store %arg9[%swap3A_178], %swap3A_181 {strides = array<i32>} : memref<64xi32, #tpu.memory_space<vmem>>, vector<16xi32>,
    %add3A_182 = arith.constant 2 : i32
    %add3A_183 = arith.addi %add3A_182, %mul3A_2 : i32
    %add3A_184 = arith.constant 192 : i32
    %add3A_185 = arith.addi %add3A_183, %add3A_184 : i32
    %add3A_186 = arith.constant 48 : i32
    %add3A_187 = arith.addi %add3A_185, %add3A_186 : i32
    %add3A_188 = vector.broadcast %add3A_187 : i32 to vector<16xi32>
    %add3A_189 = arith.addi %add3A_188, %iota3A : vector<16xi32>
    %swap3A_190 = arith.constant 48 : index
    %swap3A_191 = tpu.vector_load %arg9[%swap3A_190] {strides = array<i32>} : memref<64xi32, #tpu.memory_space<vmem>>, vector<16xi32>,
    %swap3A_192 = vector.shape_cast %swap3A_191 : vector<16xi32> to vector<16xi32>
    %swap3A_193 = vector.shape_cast %add3A_189 : vector<16xi32> to vector<16xi32>
    tpu.vector_store %arg9[%swap3A_190], %swap3A_193 {strides = array<i32>} : memref<64xi32, #tpu.memory_space<vmem>>, vector<16xi32>,
    %dma_start3A = arith.constant 0 : i32
    %dma_start3A_194 = arith.constant 0 : i32
    %dma_start3A_195 = tpu.memref_slice %arg2[%dma_start3A, %dma_start3A_194] : memref<8194x768xf32, #tpu.memory_space<hbm>> -> memref<8194x768xf32, #tpu.memory_space<hbm>>
    tpu.enqueue_indirect_dma source(%dma_start3A_195 : memref<8194x768xf32, #tpu.memory_space<hbm>>) target(%arg4 : memref<64x768xf32, #tpu.memory_space<vmem>>) offsets(%arg6 : memref<64xi32, #tpu.memory_space<vmem>>) semaphore(%arg10 : memref<!tpu.dma_semaphore, #tpu.memory_space<semaphore_mem>>)
    %dma_start3A_196 = arith.constant 0 : i32
    %dma_start3A_197 = arith.constant 0 : i32
    %dma_start3A_198 = tpu.memref_slice %arg2[%dma_start3A_196, %dma_start3A_197] : memref<8194x768xf32, #tpu.memory_space<hbm>> -> memref<8194x768xf32, #tpu.memory_space<hbm>>
    tpu.enqueue_indirect_dma source(%dma_start3A_198 : memref<8194x768xf32, #tpu.memory_space<hbm>>) target(%arg5 : memref<64x768xf32, #tpu.memory_space<vmem>>) offsets(%arg7 : memref<64xi32, #tpu.memory_space<vmem>>) semaphore(%arg11 : memref<!tpu.dma_semaphore, #tpu.memory_space<semaphore_mem>>)
    %dma_wait3A = arith.constant 0 : i32
    %dma_wait3A_199 = arith.constant 0 : i32
    %dma_wait3A_200 = tpu.memref_slice %arg2[%dma_wait3A, %dma_wait3A_199] : memref<8194x768xf32, #tpu.memory_space<hbm>> -> memref<8194x768xf32, #tpu.memory_space<hbm>>
    tpu.wait_indirect_dma semaphore(%arg10 : memref<!tpu.dma_semaphore, #tpu.memory_space<semaphore_mem>>) src(%dma_wait3A_200 : memref<8194x768xf32, #tpu.memory_space<hbm>>) dst(%arg4 : memref<64x768xf32, #tpu.memory_space<vmem>>)
    %add3A_201 = arith.constant 0 : i32
    %add3A_202 = arith.addi %mul3A_2, %add3A_201 : i32
    %dma_start3A_203 = arith.constant 0 : i32
    %dma_start3A_204 = arith.constant 0 : i32
    %dma_start3A_205 = tpu.memref_slice %arg3[%dma_start3A_203, %add3A_202, %dma_start3A_204] : memref<4x8192x768xf32, #tpu.memory_space<hbm>> -> memref<1x64x768xf32, #tpu.memory_space<hbm>>
    %dma_start3A_206 = tpu.memref_squeeze %dma_start3A_205 : memref<1x64x768xf32, #tpu.memory_space<hbm>> -> memref<64x768xf32, #tpu.memory_space<hbm>>
    %dma_start3A_207 = arith.constant 0 : i32
    %dma_start3A_208 = tpu.memref_slice %arg3[%dma_start3A_203, %add3A_202, %dma_start3A_207] : memref<4x8192x768xf32, #tpu.memory_space<hbm>> -> memref<1x64x768xf32, #tpu.memory_space<hbm>>
    %dma_start3A_209 = tpu.memref_squeeze %dma_start3A_208 : memref<1x64x768xf32, #tpu.memory_space<hbm>> -> memref<64x768xf32, #tpu.memory_space<hbm>>
    tpu.enqueue_dma source(%arg4 : memref<64x768xf32, #tpu.memory_space<vmem>>) target(%dma_start3A_209 : memref<64x768xf32, #tpu.memory_space<hbm>>) target_semaphore(%arg12 : memref<!tpu.dma_semaphore, #tpu.memory_space<semaphore_mem>>)
    %dma_start3A_210 = arith.constant 1 : i32
    %dma_start3A_211 = arith.constant 0 : i32
    %dma_start3A_212 = tpu.memref_slice %arg3[%dma_start3A_210, %add3A_202, %dma_start3A_211] : memref<4x8192x768xf32, #tpu.memory_space<hbm>> -> memref<1x64x768xf32, #tpu.memory_space<hbm>>
    %dma_start3A_213 = tpu.memref_squeeze %dma_start3A_212 : memref<1x64x768xf32, #tpu.memory_space<hbm>> -> memref<64x768xf32, #tpu.memory_space<hbm>>
    %dma_start3A_214 = arith.constant 0 : i32
    %dma_start3A_215 = tpu.memref_slice %arg3[%dma_start3A_210, %add3A_202, %dma_start3A_214] : memref<4x8192x768xf32, #tpu.memory_space<hbm>> -> memref<1x64x768xf32, #tpu.memory_space<hbm>>
    %dma_start3A_216 = tpu.memref_squeeze %dma_start3A_215 : memref<1x64x768xf32, #tpu.memory_space<hbm>> -> memref<64x768xf32, #tpu.memory_space<hbm>>
    tpu.enqueue_dma source(%arg4 : memref<64x768xf32, #tpu.memory_space<vmem>>) target(%dma_start3A_216 : memref<64x768xf32, #tpu.memory_space<hbm>>) target_semaphore(%arg12 : memref<!tpu.dma_semaphore, #tpu.memory_space<semaphore_mem>>)
    %dma_start3A_217 = arith.constant 2 : i32
    %dma_start3A_218 = arith.constant 0 : i32
    %dma_start3A_219 = tpu.memref_slice %arg3[%dma_start3A_217, %add3A_202, %dma_start3A_218] : memref<4x8192x768xf32, #tpu.memory_space<hbm>> -> memref<1x64x768xf32, #tpu.memory_space<hbm>>
    %dma_start3A_220 = tpu.memref_squeeze %dma_start3A_219 : memref<1x64x768xf32, #tpu.memory_space<hbm>> -> memref<64x768xf32, #tpu.memory_space<hbm>>
    %dma_start3A_221 = arith.constant 0 : i32
    %dma_start3A_222 = tpu.memref_slice %arg3[%dma_start3A_217, %add3A_202, %dma_start3A_221] : memref<4x8192x768xf32, #tpu.memory_space<hbm>> -> memref<1x64x768xf32, #tpu.memory_space<hbm>>
    %dma_start3A_223 = tpu.memref_squeeze %dma_start3A_222 : memref<1x64x768xf32, #tpu.memory_space<hbm>> -> memref<64x768xf32, #tpu.memory_space<hbm>>
    tpu.enqueue_dma source(%arg4 : memref<64x768xf32, #tpu.memory_space<vmem>>) target(%dma_start3A_223 : memref<64x768xf32, #tpu.memory_space<hbm>>) target_semaphore(%arg12 : memref<!tpu.dma_semaphore, #tpu.memory_space<semaphore_mem>>)
    %dma_start3A_224 = arith.constant 3 : i32
    %dma_start3A_225 = arith.constant 0 : i32
    %dma_start3A_226 = tpu.memref_slice %arg3[%dma_start3A_224, %add3A_202, %dma_start3A_225] : memref<4x8192x768xf32, #tpu.memory_space<hbm>> -> memref<1x64x768xf32, #tpu.memory_space<hbm>>
    %dma_start3A_227 = tpu.memref_squeeze %dma_start3A_226 : memref<1x64x768xf32, #tpu.memory_space<hbm>> -> memref<64x768xf32, #tpu.memory_space<hbm>>
    %dma_start3A_228 = arith.constant 0 : i32
    %dma_start3A_229 = tpu.memref_slice %arg3[%dma_start3A_224, %add3A_202, %dma_start3A_228] : memref<4x8192x768xf32, #tpu.memory_space<hbm>> -> memref<1x64x768xf32, #tpu.memory_space<hbm>>
    %dma_start3A_230 = tpu.memref_squeeze %dma_start3A_229 : memref<1x64x768xf32, #tpu.memory_space<hbm>> -> memref<64x768xf32, #tpu.memory_space<hbm>>
    tpu.enqueue_dma source(%arg4 : memref<64x768xf32, #tpu.memory_space<vmem>>) target(%dma_start3A_230 : memref<64x768xf32, #tpu.memory_space<hbm>>) target_semaphore(%arg12 : memref<!tpu.dma_semaphore, #tpu.memory_space<semaphore_mem>>)
    %dma_wait3A_231 = arith.constant 0 : i32
    %dma_wait3A_232 = arith.constant 0 : i32
    %dma_wait3A_233 = tpu.memref_slice %arg2[%dma_wait3A_231, %dma_wait3A_232] : memref<8194x768xf32, #tpu.memory_space<hbm>> -> memref<8194x768xf32, #tpu.memory_space<hbm>>
    tpu.wait_indirect_dma semaphore(%arg11 : memref<!tpu.dma_semaphore, #tpu.memory_space<semaphore_mem>>) src(%dma_wait3A_233 : memref<8194x768xf32, #tpu.memory_space<hbm>>) dst(%arg5 : memref<64x768xf32, #tpu.memory_space<vmem>>)
    %add3A_234 = arith.constant 64 : i32
    %add3A_235 = arith.addi %mul3A_2, %add3A_234 : i32
    %dma_start3A_236 = arith.constant 0 : i32
    %dma_start3A_237 = arith.constant 0 : i32
    %dma_start3A_238 = tpu.memref_slice %arg3[%dma_start3A_236, %add3A_235, %dma_start3A_237] : memref<4x8192x768xf32, #tpu.memory_space<hbm>> -> memref<1x64x768xf32, #tpu.memory_space<hbm>>
    %dma_start3A_239 = tpu.memref_squeeze %dma_start3A_238 : memref<1x64x768xf32, #tpu.memory_space<hbm>> -> memref<64x768xf32, #tpu.memory_space<hbm>>
    %dma_start3A_240 = arith.constant 0 : i32
    %dma_start3A_241 = tpu.memref_slice %arg3[%dma_start3A_236, %add3A_235, %dma_start3A_240] : memref<4x8192x768xf32, #tpu.memory_space<hbm>> -> memref<1x64x768xf32, #tpu.memory_space<hbm>>
    %dma_start3A_242 = tpu.memref_squeeze %dma_start3A_241 : memref<1x64x768xf32, #tpu.memory_space<hbm>> -> memref<64x768xf32, #tpu.memory_space<hbm>>
    tpu.enqueue_dma source(%arg5 : memref<64x768xf32, #tpu.memory_space<vmem>>) target(%dma_start3A_242 : memref<64x768xf32, #tpu.memory_space<hbm>>) target_semaphore(%arg13 : memref<!tpu.dma_semaphore, #tpu.memory_space<semaphore_mem>>)
    %dma_start3A_243 = arith.constant 1 : i32
    %dma_start3A_244 = arith.constant 0 : i32
    %dma_start3A_245 = tpu.memref_slice %arg3[%dma_start3A_243, %add3A_235, %dma_start3A_244] : memref<4x8192x768xf32, #tpu.memory_space<hbm>> -> memref<1x64x768xf32, #tpu.memory_space<hbm>>
    %dma_start3A_246 = tpu.memref_squeeze %dma_start3A_245 : memref<1x64x768xf32, #tpu.memory_space<hbm>> -> memref<64x768xf32, #tpu.memory_space<hbm>>
    %dma_start3A_247 = arith.constant 0 : i32
    %dma_start3A_248 = tpu.memref_slice %arg3[%dma_start3A_243, %add3A_235, %dma_start3A_247] : memref<4x8192x768xf32, #tpu.memory_space<hbm>> -> memref<1x64x768xf32, #tpu.memory_space<hbm>>
    %dma_start3A_249 = tpu.memref_squeeze %dma_start3A_248 : memref<1x64x768xf32, #tpu.memory_space<hbm>> -> memref<64x768xf32, #tpu.memory_space<hbm>>
    tpu.enqueue_dma source(%arg5 : memref<64x768xf32, #tpu.memory_space<vmem>>) target(%dma_start3A_249 : memref<64x768xf32, #tpu.memory_space<hbm>>) target_semaphore(%arg13 : memref<!tpu.dma_semaphore, #tpu.memory_space<semaphore_mem>>)
    %dma_start3A_250 = arith.constant 2 : i32
    %dma_start3A_251 = arith.constant 0 : i32
    %dma_start3A_252 = tpu.memref_slice %arg3[%dma_start3A_250, %add3A_235, %dma_start3A_251] : memref<4x8192x768xf32, #tpu.memory_space<hbm>> -> memref<1x64x768xf32, #tpu.memory_space<hbm>>
    %dma_start3A_253 = tpu.memref_squeeze %dma_start3A_252 : memref<1x64x768xf32, #tpu.memory_space<hbm>> -> memref<64x768xf32, #tpu.memory_space<hbm>>
    %dma_start3A_254 = arith.constant 0 : i32
    %dma_start3A_255 = tpu.memref_slice %arg3[%dma_start3A_250, %add3A_235, %dma_start3A_254] : memref<4x8192x768xf32, #tpu.memory_space<hbm>> -> memref<1x64x768xf32, #tpu.memory_space<hbm>>
    %dma_start3A_256 = tpu.memref_squeeze %dma_start3A_255 : memref<1x64x768xf32, #tpu.memory_space<hbm>> -> memref<64x768xf32, #tpu.memory_space<hbm>>
    tpu.enqueue_dma source(%arg5 : memref<64x768xf32, #tpu.memory_space<vmem>>) target(%dma_start3A_256 : memref<64x768xf32, #tpu.memory_space<hbm>>) target_semaphore(%arg13 : memref<!tpu.dma_semaphore, #tpu.memory_space<semaphore_mem>>)
    %dma_start3A_257 = arith.constant 3 : i32
    %dma_start3A_258 = arith.constant 0 : i32
    %dma_start3A_259 = tpu.memref_slice %arg3[%dma_start3A_257, %add3A_235, %dma_start3A_258] : memref<4x8192x768xf32, #tpu.memory_space<hbm>> -> memref<1x64x768xf32, #tpu.memory_space<hbm>>
    %dma_start3A_260 = tpu.memref_squeeze %dma_start3A_259 : memref<1x64x768xf32, #tpu.memory_space<hbm>> -> memref<64x768xf32, #tpu.memory_space<hbm>>
    %dma_start3A_261 = arith.constant 0 : i32
    %dma_start3A_262 = tpu.memref_slice %arg3[%dma_start3A_257, %add3A_235, %dma_start3A_261] : memref<4x8192x768xf32, #tpu.memory_space<hbm>> -> memref<1x64x768xf32, #tpu.memory_space<hbm>>
    %dma_start3A_263 = tpu.memref_squeeze %dma_start3A_262 : memref<1x64x768xf32, #tpu.memory_space<hbm>> -> memref<64x768xf32, #tpu.memory_space<hbm>>
    tpu.enqueue_dma source(%arg5 : memref<64x768xf32, #tpu.memory_space<vmem>>) target(%dma_start3A_263 : memref<64x768xf32, #tpu.memory_space<hbm>>) target_semaphore(%arg13 : memref<!tpu.dma_semaphore, #tpu.memory_space<semaphore_mem>>)
    %dma_wait3A_264 = arith.constant 0 : i32
    %dma_wait3A_265 = arith.constant 0 : i32
    %dma_wait3A_266 = tpu.memref_slice %arg3[%dma_wait3A_264, %add3A_202, %dma_wait3A_265] : memref<4x8192x768xf32, #tpu.memory_space<hbm>> -> memref<1x64x768xf32, #tpu.memory_space<hbm>>
    %dma_wait3A_267 = tpu.memref_squeeze %dma_wait3A_266 : memref<1x64x768xf32, #tpu.memory_space<hbm>> -> memref<64x768xf32, #tpu.memory_space<hbm>>
    %dma_wait3A_268 = arith.constant 0 : i32
    %dma_wait3A_269 = tpu.memref_slice %arg3[%dma_wait3A_264, %add3A_202, %dma_wait3A_268] : memref<4x8192x768xf32, #tpu.memory_space<hbm>> -> memref<1x64x768xf32, #tpu.memory_space<hbm>>
    %dma_wait3A_270 = tpu.memref_squeeze %dma_wait3A_269 : memref<1x64x768xf32, #tpu.memory_space<hbm>> -> memref<64x768xf32, #tpu.memory_space<hbm>>
    tpu.wait_dma2 semaphore(%arg12 : memref<!tpu.dma_semaphore, #tpu.memory_space<semaphore_mem>>) src(%arg4 : memref<64x768xf32, #tpu.memory_space<vmem>>) dst(%dma_wait3A_270 : memref<64x768xf32, #tpu.memory_space<hbm>>)
    %dma_wait3A_271 = arith.constant 1 : i32
    %dma_wait3A_272 = arith.constant 0 : i32
    %dma_wait3A_273 = tpu.memref_slice %arg3[%dma_wait3A_271, %add3A_202, %dma_wait3A_272] : memref<4x8192x768xf32, #tpu.memory_space<hbm>> -> memref<1x64x768xf32, #tpu.memory_space<hbm>>
    %dma_wait3A_274 = tpu.memref_squeeze %dma_wait3A_273 : memref<1x64x768xf32, #tpu.memory_space<hbm>> -> memref<64x768xf32, #tpu.memory_space<hbm>>
    %dma_wait3A_275 = arith.constant 0 : i32
    %dma_wait3A_276 = tpu.memref_slice %arg3[%dma_wait3A_271, %add3A_202, %dma_wait3A_275] : memref<4x8192x768xf32, #tpu.memory_space<hbm>> -> memref<1x64x768xf32, #tpu.memory_space<hbm>>
    %dma_wait3A_277 = tpu.memref_squeeze %dma_wait3A_276 : memref<1x64x768xf32, #tpu.memory_space<hbm>> -> memref<64x768xf32, #tpu.memory_space<hbm>>
    tpu.wait_dma2 semaphore(%arg12 : memref<!tpu.dma_semaphore, #tpu.memory_space<semaphore_mem>>) src(%arg4 : memref<64x768xf32, #tpu.memory_space<vmem>>) dst(%dma_wait3A_277 : memref<64x768xf32, #tpu.memory_space<hbm>>)
    %dma_wait3A_278 = arith.constant 2 : i32
    %dma_wait3A_279 = arith.constant 0 : i32
    %dma_wait3A_280 = tpu.memref_slice %arg3[%dma_wait3A_278, %add3A_202, %dma_wait3A_279] : memref<4x8192x768xf32, #tpu.memory_space<hbm>> -> memref<1x64x768xf32, #tpu.memory_space<hbm>>
    %dma_wait3A_281 = tpu.memref_squeeze %dma_wait3A_280 : memref<1x64x768xf32, #tpu.memory_space<hbm>> -> memref<64x768xf32, #tpu.memory_space<hbm>>
    %dma_wait3A_282 = arith.constant 0 : i32
    %dma_wait3A_283 = tpu.memref_slice %arg3[%dma_wait3A_278, %add3A_202, %dma_wait3A_282] : memref<4x8192x768xf32, #tpu.memory_space<hbm>> -> memref<1x64x768xf32, #tpu.memory_space<hbm>>
    %dma_wait3A_284 = tpu.memref_squeeze %dma_wait3A_283 : memref<1x64x768xf32, #tpu.memory_space<hbm>> -> memref<64x768xf32, #tpu.memory_space<hbm>>
    tpu.wait_dma2 semaphore(%arg12 : memref<!tpu.dma_semaphore, #tpu.memory_space<semaphore_mem>>) src(%arg4 : memref<64x768xf32, #tpu.memory_space<vmem>>) dst(%dma_wait3A_284 : memref<64x768xf32, #tpu.memory_space<hbm>>)
    %dma_wait3A_285 = arith.constant 3 : i32
    %dma_wait3A_286 = arith.constant 0 : i32
    %dma_wait3A_287 = tpu.memref_slice %arg3[%dma_wait3A_285, %add3A_202, %dma_wait3A_286] : memref<4x8192x768xf32, #tpu.memory_space<hbm>> -> memref<1x64x768xf32, #tpu.memory_space<hbm>>
    %dma_wait3A_288 = tpu.memref_squeeze %dma_wait3A_287 : memref<1x64x768xf32, #tpu.memory_space<hbm>> -> memref<64x768xf32, #tpu.memory_space<hbm>>
    %dma_wait3A_289 = arith.constant 0 : i32
    %dma_wait3A_290 = tpu.memref_slice %arg3[%dma_wait3A_285, %add3A_202, %dma_wait3A_289] : memref<4x8192x768xf32, #tpu.memory_space<hbm>> -> memref<1x64x768xf32, #tpu.memory_space<hbm>>
    %dma_wait3A_291 = tpu.memref_squeeze %dma_wait3A_290 : memref<1x64x768xf32, #tpu.memory_space<hbm>> -> memref<64x768xf32, #tpu.memory_space<hbm>>
    tpu.wait_dma2 semaphore(%arg12 : memref<!tpu.dma_semaphore, #tpu.memory_space<semaphore_mem>>) src(%arg4 : memref<64x768xf32, #tpu.memory_space<vmem>>) dst(%dma_wait3A_291 : memref<64x768xf32, #tpu.memory_space<hbm>>)
    %dma_start3A_292 = arith.constant 0 : i32
    %dma_start3A_293 = arith.constant 0 : i32
    %dma_start3A_294 = tpu.memref_slice %arg2[%dma_start3A_292, %dma_start3A_293] : memref<8194x768xf32, #tpu.memory_space<hbm>> -> memref<8194x768xf32, #tpu.memory_space<hbm>>
    tpu.enqueue_indirect_dma source(%dma_start3A_294 : memref<8194x768xf32, #tpu.memory_space<hbm>>) target(%arg4 : memref<64x768xf32, #tpu.memory_space<vmem>>) offsets(%arg8 : memref<64xi32, #tpu.memory_space<vmem>>) semaphore(%arg10 : memref<!tpu.dma_semaphore, #tpu.memory_space<semaphore_mem>>)
    %dma_wait3A_295 = arith.constant 0 : i32
    %dma_wait3A_296 = arith.constant 0 : i32
    %dma_wait3A_297 = tpu.memref_slice %arg2[%dma_wait3A_295, %dma_wait3A_296] : memref<8194x768xf32, #tpu.memory_space<hbm>> -> memref<8194x768xf32, #tpu.memory_space<hbm>>
    tpu.wait_indirect_dma semaphore(%arg10 : memref<!tpu.dma_semaphore, #tpu.memory_space<semaphore_mem>>) src(%dma_wait3A_297 : memref<8194x768xf32, #tpu.memory_space<hbm>>) dst(%arg4 : memref<64x768xf32, #tpu.memory_space<vmem>>)
    %add3A_298 = arith.constant 128 : i32
    %add3A_299 = arith.addi %mul3A_2, %add3A_298 : i32
    %dma_start3A_300 = arith.constant 0 : i32
    %dma_start3A_301 = arith.constant 0 : i32
    %dma_start3A_302 = tpu.memref_slice %arg3[%dma_start3A_300, %add3A_299, %dma_start3A_301] : memref<4x8192x768xf32, #tpu.memory_space<hbm>> -> memref<1x64x768xf32, #tpu.memory_space<hbm>>
    %dma_start3A_303 = tpu.memref_squeeze %dma_start3A_302 : memref<1x64x768xf32, #tpu.memory_space<hbm>> -> memref<64x768xf32, #tpu.memory_space<hbm>>
    %dma_start3A_304 = arith.constant 0 : i32
    %dma_start3A_305 = tpu.memref_slice %arg3[%dma_start3A_300, %add3A_299, %dma_start3A_304] : memref<4x8192x768xf32, #tpu.memory_space<hbm>> -> memref<1x64x768xf32, #tpu.memory_space<hbm>>
    %dma_start3A_306 = tpu.memref_squeeze %dma_start3A_305 : memref<1x64x768xf32, #tpu.memory_space<hbm>> -> memref<64x768xf32, #tpu.memory_space<hbm>>
    tpu.enqueue_dma source(%arg4 : memref<64x768xf32, #tpu.memory_space<vmem>>) target(%dma_start3A_306 : memref<64x768xf32, #tpu.memory_space<hbm>>) target_semaphore(%arg12 : memref<!tpu.dma_semaphore, #tpu.memory_space<semaphore_mem>>)
    %dma_start3A_307 = arith.constant 1 : i32
    %dma_start3A_308 = arith.constant 0 : i32
    %dma_start3A_309 = tpu.memref_slice %arg3[%dma_start3A_307, %add3A_299, %dma_start3A_308] : memref<4x8192x768xf32, #tpu.memory_space<hbm>> -> memref<1x64x768xf32, #tpu.memory_space<hbm>>
    %dma_start3A_310 = tpu.memref_squeeze %dma_start3A_309 : memref<1x64x768xf32, #tpu.memory_space<hbm>> -> memref<64x768xf32, #tpu.memory_space<hbm>>
    %dma_start3A_311 = arith.constant 0 : i32
    %dma_start3A_312 = tpu.memref_slice %arg3[%dma_start3A_307, %add3A_299, %dma_start3A_311] : memref<4x8192x768xf32, #tpu.memory_space<hbm>> -> memref<1x64x768xf32, #tpu.memory_space<hbm>>
    %dma_start3A_313 = tpu.memref_squeeze %dma_start3A_312 : memref<1x64x768xf32, #tpu.memory_space<hbm>> -> memref<64x768xf32, #tpu.memory_space<hbm>>
    tpu.enqueue_dma source(%arg4 : memref<64x768xf32, #tpu.memory_space<vmem>>) target(%dma_start3A_313 : memref<64x768xf32, #tpu.memory_space<hbm>>) target_semaphore(%arg12 : memref<!tpu.dma_semaphore, #tpu.memory_space<semaphore_mem>>)
    %dma_start3A_314 = arith.constant 2 : i32
    %dma_start3A_315 = arith.constant 0 : i32
    %dma_start3A_316 = tpu.memref_slice %arg3[%dma_start3A_314, %add3A_299, %dma_start3A_315] : memref<4x8192x768xf32, #tpu.memory_space<hbm>> -> memref<1x64x768xf32, #tpu.memory_space<hbm>>
    %dma_start3A_317 = tpu.memref_squeeze %dma_start3A_316 : memref<1x64x768xf32, #tpu.memory_space<hbm>> -> memref<64x768xf32, #tpu.memory_space<hbm>>
    %dma_start3A_318 = arith.constant 0 : i32
    %dma_start3A_319 = tpu.memref_slice %arg3[%dma_start3A_314, %add3A_299, %dma_start3A_318] : memref<4x8192x768xf32, #tpu.memory_space<hbm>> -> memref<1x64x768xf32, #tpu.memory_space<hbm>>
    %dma_start3A_320 = tpu.memref_squeeze %dma_start3A_319 : memref<1x64x768xf32, #tpu.memory_space<hbm>> -> memref<64x768xf32, #tpu.memory_space<hbm>>
    tpu.enqueue_dma source(%arg4 : memref<64x768xf32, #tpu.memory_space<vmem>>) target(%dma_start3A_320 : memref<64x768xf32, #tpu.memory_space<hbm>>) target_semaphore(%arg12 : memref<!tpu.dma_semaphore, #tpu.memory_space<semaphore_mem>>)
    %dma_start3A_321 = arith.constant 3 : i32
    %dma_start3A_322 = arith.constant 0 : i32
    %dma_start3A_323 = tpu.memref_slice %arg3[%dma_start3A_321, %add3A_299, %dma_start3A_322] : memref<4x8192x768xf32, #tpu.memory_space<hbm>> -> memref<1x64x768xf32, #tpu.memory_space<hbm>>
    %dma_start3A_324 = tpu.memref_squeeze %dma_start3A_323 : memref<1x64x768xf32, #tpu.memory_space<hbm>> -> memref<64x768xf32, #tpu.memory_space<hbm>>
    %dma_start3A_325 = arith.constant 0 : i32
    %dma_start3A_326 = tpu.memref_slice %arg3[%dma_start3A_321, %add3A_299, %dma_start3A_325] : memref<4x8192x768xf32, #tpu.memory_space<hbm>> -> memref<1x64x768xf32, #tpu.memory_space<hbm>>
    %dma_start3A_327 = tpu.memref_squeeze %dma_start3A_326 : memref<1x64x768xf32, #tpu.memory_space<hbm>> -> memref<64x768xf32, #tpu.memory_space<hbm>>
    tpu.enqueue_dma source(%arg4 : memref<64x768xf32, #tpu.memory_space<vmem>>) target(%dma_start3A_327 : memref<64x768xf32, #tpu.memory_space<hbm>>) target_semaphore(%arg12 : memref<!tpu.dma_semaphore, #tpu.memory_space<semaphore_mem>>)
    %dma_wait3A_328 = arith.constant 0 : i32
    %dma_wait3A_329 = arith.constant 0 : i32
    %dma_wait3A_330 = tpu.memref_slice %arg3[%dma_wait3A_328, %add3A_235, %dma_wait3A_329] : memref<4x8192x768xf32, #tpu.memory_space<hbm>> -> memref<1x64x768xf32, #tpu.memory_space<hbm>>
    %dma_wait3A_331 = tpu.memref_squeeze %dma_wait3A_330 : memref<1x64x768xf32, #tpu.memory_space<hbm>> -> memref<64x768xf32, #tpu.memory_space<hbm>>
    %dma_wait3A_332 = arith.constant 0 : i32
    %dma_wait3A_333 = tpu.memref_slice %arg3[%dma_wait3A_328, %add3A_235, %dma_wait3A_332] : memref<4x8192x768xf32, #tpu.memory_space<hbm>> -> memref<1x64x768xf32, #tpu.memory_space<hbm>>
    %dma_wait3A_334 = tpu.memref_squeeze %dma_wait3A_333 : memref<1x64x768xf32, #tpu.memory_space<hbm>> -> memref<64x768xf32, #tpu.memory_space<hbm>>
    tpu.wait_dma2 semaphore(%arg13 : memref<!tpu.dma_semaphore, #tpu.memory_space<semaphore_mem>>) src(%arg5 : memref<64x768xf32, #tpu.memory_space<vmem>>) dst(%dma_wait3A_334 : memref<64x768xf32, #tpu.memory_space<hbm>>)
    %dma_wait3A_335 = arith.constant 1 : i32
    %dma_wait3A_336 = arith.constant 0 : i32
    %dma_wait3A_337 = tpu.memref_slice %arg3[%dma_wait3A_335, %add3A_235, %dma_wait3A_336] : memref<4x8192x768xf32, #tpu.memory_space<hbm>> -> memref<1x64x768xf32, #tpu.memory_space<hbm>>
    %dma_wait3A_338 = tpu.memref_squeeze %dma_wait3A_337 : memref<1x64x768xf32, #tpu.memory_space<hbm>> -> memref<64x768xf32, #tpu.memory_space<hbm>>
    %dma_wait3A_339 = arith.constant 0 : i32
    %dma_wait3A_340 = tpu.memref_slice %arg3[%dma_wait3A_335, %add3A_235, %dma_wait3A_339] : memref<4x8192x768xf32, #tpu.memory_space<hbm>> -> memref<1x64x768xf32, #tpu.memory_space<hbm>>
    %dma_wait3A_341 = tpu.memref_squeeze %dma_wait3A_340 : memref<1x64x768xf32, #tpu.memory_space<hbm>> -> memref<64x768xf32, #tpu.memory_space<hbm>>
    tpu.wait_dma2 semaphore(%arg13 : memref<!tpu.dma_semaphore, #tpu.memory_space<semaphore_mem>>) src(%arg5 : memref<64x768xf32, #tpu.memory_space<vmem>>) dst(%dma_wait3A_341 : memref<64x768xf32, #tpu.memory_space<hbm>>)
    %dma_wait3A_342 = arith.constant 2 : i32
    %dma_wait3A_343 = arith.constant 0 : i32
    %dma_wait3A_344 = tpu.memref_slice %arg3[%dma_wait3A_342, %add3A_235, %dma_wait3A_343] : memref<4x8192x768xf32, #tpu.memory_space<hbm>> -> memref<1x64x768xf32, #tpu.memory_space<hbm>>
    %dma_wait3A_345 = tpu.memref_squeeze %dma_wait3A_344 : memref<1x64x768xf32, #tpu.memory_space<hbm>> -> memref<64x768xf32, #tpu.memory_space<hbm>>
    %dma_wait3A_346 = arith.constant 0 : i32
    %dma_wait3A_347 = tpu.memref_slice %arg3[%dma_wait3A_342, %add3A_235, %dma_wait3A_346] : memref<4x8192x768xf32, #tpu.memory_space<hbm>> -> memref<1x64x768xf32, #tpu.memory_space<hbm>>
    %dma_wait3A_348 = tpu.memref_squeeze %dma_wait3A_347 : memref<1x64x768xf32, #tpu.memory_space<hbm>> -> memref<64x768xf32, #tpu.memory_space<hbm>>
    tpu.wait_dma2 semaphore(%arg13 : memref<!tpu.dma_semaphore, #tpu.memory_space<semaphore_mem>>) src(%arg5 : memref<64x768xf32, #tpu.memory_space<vmem>>) dst(%dma_wait3A_348 : memref<64x768xf32, #tpu.memory_space<hbm>>)
    %dma_wait3A_349 = arith.constant 3 : i32
    %dma_wait3A_350 = arith.constant 0 : i32
    %dma_wait3A_351 = tpu.memref_slice %arg3[%dma_wait3A_349, %add3A_235, %dma_wait3A_350] : memref<4x8192x768xf32, #tpu.memory_space<hbm>> -> memref<1x64x768xf32, #tpu.memory_space<hbm>>
    %dma_wait3A_352 = tpu.memref_squeeze %dma_wait3A_351 : memref<1x64x768xf32, #tpu.memory_space<hbm>> -> memref<64x768xf32, #tpu.memory_space<hbm>>
    %dma_wait3A_353 = arith.constant 0 : i32
    %dma_wait3A_354 = tpu.memref_slice %arg3[%dma_wait3A_349, %add3A_235, %dma_wait3A_353] : memref<4x8192x768xf32, #tpu.memory_space<hbm>> -> memref<1x64x768xf32, #tpu.memory_space<hbm>>
    %dma_wait3A_355 = tpu.memref_squeeze %dma_wait3A_354 : memref<1x64x768xf32, #tpu.memory_space<hbm>> -> memref<64x768xf32, #tpu.memory_space<hbm>>
    tpu.wait_dma2 semaphore(%arg13 : memref<!tpu.dma_semaphore, #tpu.memory_space<semaphore_mem>>) src(%arg5 : memref<64x768xf32, #tpu.memory_space<vmem>>) dst(%dma_wait3A_355 : memref<64x768xf32, #tpu.memory_space<hbm>>)
    %dma_start3A_356 = arith.constant 0 : i32
    %dma_start3A_357 = arith.constant 0 : i32
    %dma_start3A_358 = tpu.memref_slice %arg2[%dma_start3A_356, %dma_start3A_357] : memref<8194x768xf32, #tpu.memory_space<hbm>> -> memref<8194x768xf32, #tpu.memory_space<hbm>>
    tpu.enqueue_indirect_dma source(%dma_start3A_358 : memref<8194x768xf32, #tpu.memory_space<hbm>>) target(%arg5 : memref<64x768xf32, #tpu.memory_space<vmem>>) offsets(%arg9 : memref<64xi32, #tpu.memory_space<vmem>>) semaphore(%arg11 : memref<!tpu.dma_semaphore, #tpu.memory_space<semaphore_mem>>)
    %dma_wait3A_359 = arith.constant 0 : i32
    %dma_wait3A_360 = arith.constant 0 : i32
    %dma_wait3A_361 = tpu.memref_slice %arg2[%dma_wait3A_359, %dma_wait3A_360] : memref<8194x768xf32, #tpu.memory_space<hbm>> -> memref<8194x768xf32, #tpu.memory_space<hbm>>
    tpu.wait_indirect_dma semaphore(%arg11 : memref<!tpu.dma_semaphore, #tpu.memory_space<semaphore_mem>>) src(%dma_wait3A_361 : memref<8194x768xf32, #tpu.memory_space<hbm>>) dst(%arg5 : memref<64x768xf32, #tpu.memory_space<vmem>>)
    %add3A_362 = arith.constant 192 : i32
    %add3A_363 = arith.addi %mul3A_2, %add3A_362 : i32
    %dma_start3A_364 = arith.constant 0 : i32
    %dma_start3A_365 = arith.constant 0 : i32
    %dma_start3A_366 = tpu.memref_slice %arg3[%dma_start3A_364, %add3A_363, %dma_start3A_365] : memref<4x8192x768xf32, #tpu.memory_space<hbm>> -> memref<1x64x768xf32, #tpu.memory_space<hbm>>
    %dma_start3A_367 = tpu.memref_squeeze %dma_start3A_366 : memref<1x64x768xf32, #tpu.memory_space<hbm>> -> memref<64x768xf32, #tpu.memory_space<hbm>>
    %dma_start3A_368 = arith.constant 0 : i32
    %dma_start3A_369 = tpu.memref_slice %arg3[%dma_start3A_364, %add3A_363, %dma_start3A_368] : memref<4x8192x768xf32, #tpu.memory_space<hbm>> -> memref<1x64x768xf32, #tpu.memory_space<hbm>>
    %dma_start3A_370 = tpu.memref_squeeze %dma_start3A_369 : memref<1x64x768xf32, #tpu.memory_space<hbm>> -> memref<64x768xf32, #tpu.memory_space<hbm>>
    tpu.enqueue_dma source(%arg5 : memref<64x768xf32, #tpu.memory_space<vmem>>) target(%dma_start3A_370 : memref<64x768xf32, #tpu.memory_space<hbm>>) target_semaphore(%arg13 : memref<!tpu.dma_semaphore, #tpu.memory_space<semaphore_mem>>)
    %dma_start3A_371 = arith.constant 1 : i32
    %dma_start3A_372 = arith.constant 0 : i32
    %dma_start3A_373 = tpu.memref_slice %arg3[%dma_start3A_371, %add3A_363, %dma_start3A_372] : memref<4x8192x768xf32, #tpu.memory_space<hbm>> -> memref<1x64x768xf32, #tpu.memory_space<hbm>>
    %dma_start3A_374 = tpu.memref_squeeze %dma_start3A_373 : memref<1x64x768xf32, #tpu.memory_space<hbm>> -> memref<64x768xf32, #tpu.memory_space<hbm>>
    %dma_start3A_375 = arith.constant 0 : i32
    %dma_start3A_376 = tpu.memref_slice %arg3[%dma_start3A_371, %add3A_363, %dma_start3A_375] : memref<4x8192x768xf32, #tpu.memory_space<hbm>> -> memref<1x64x768xf32, #tpu.memory_space<hbm>>
    %dma_start3A_377 = tpu.memref_squeeze %dma_start3A_376 : memref<1x64x768xf32, #tpu.memory_space<hbm>> -> memref<64x768xf32, #tpu.memory_space<hbm>>
    tpu.enqueue_dma source(%arg5 : memref<64x768xf32, #tpu.memory_space<vmem>>) target(%dma_start3A_377 : memref<64x768xf32, #tpu.memory_space<hbm>>) target_semaphore(%arg13 : memref<!tpu.dma_semaphore, #tpu.memory_space<semaphore_mem>>)
    %dma_start3A_378 = arith.constant 2 : i32
    %dma_start3A_379 = arith.constant 0 : i32
    %dma_start3A_380 = tpu.memref_slice %arg3[%dma_start3A_378, %add3A_363, %dma_start3A_379] : memref<4x8192x768xf32, #tpu.memory_space<hbm>> -> memref<1x64x768xf32, #tpu.memory_space<hbm>>
    %dma_start3A_381 = tpu.memref_squeeze %dma_start3A_380 : memref<1x64x768xf32, #tpu.memory_space<hbm>> -> memref<64x768xf32, #tpu.memory_space<hbm>>
    %dma_start3A_382 = arith.constant 0 : i32
    %dma_start3A_383 = tpu.memref_slice %arg3[%dma_start3A_378, %add3A_363, %dma_start3A_382] : memref<4x8192x768xf32, #tpu.memory_space<hbm>> -> memref<1x64x768xf32, #tpu.memory_space<hbm>>
    %dma_start3A_384 = tpu.memref_squeeze %dma_start3A_383 : memref<1x64x768xf32, #tpu.memory_space<hbm>> -> memref<64x768xf32, #tpu.memory_space<hbm>>
    tpu.enqueue_dma source(%arg5 : memref<64x768xf32, #tpu.memory_space<vmem>>) target(%dma_start3A_384 : memref<64x768xf32, #tpu.memory_space<hbm>>) target_semaphore(%arg13 : memref<!tpu.dma_semaphore, #tpu.memory_space<semaphore_mem>>)
    %dma_start3A_385 = arith.constant 3 : i32
    %dma_start3A_386 = arith.constant 0 : i32
    %dma_start3A_387 = tpu.memref_slice %arg3[%dma_start3A_385, %add3A_363, %dma_start3A_386] : memref<4x8192x768xf32, #tpu.memory_space<hbm>> -> memref<1x64x768xf32, #tpu.memory_space<hbm>>
    %dma_start3A_388 = tpu.memref_squeeze %dma_start3A_387 : memref<1x64x768xf32, #tpu.memory_space<hbm>> -> memref<64x768xf32, #tpu.memory_space<hbm>>
    %dma_start3A_389 = arith.constant 0 : i32
    %dma_start3A_390 = tpu.memref_slice %arg3[%dma_start3A_385, %add3A_363, %dma_start3A_389] : memref<4x8192x768xf32, #tpu.memory_space<hbm>> -> memref<1x64x768xf32, #tpu.memory_space<hbm>>
    %dma_start3A_391 = tpu.memref_squeeze %dma_start3A_390 : memref<1x64x768xf32, #tpu.memory_space<hbm>> -> memref<64x768xf32, #tpu.memory_space<hbm>>
    tpu.enqueue_dma source(%arg5 : memref<64x768xf32, #tpu.memory_space<vmem>>) target(%dma_start3A_391 : memref<64x768xf32, #tpu.memory_space<hbm>>) target_semaphore(%arg13 : memref<!tpu.dma_semaphore, #tpu.memory_space<semaphore_mem>>)
    %dma_wait3A_392 = arith.constant 0 : i32
    %dma_wait3A_393 = arith.constant 0 : i32
    %dma_wait3A_394 = tpu.memref_slice %arg3[%dma_wait3A_392, %add3A_299, %dma_wait3A_393] : memref<4x8192x768xf32, #tpu.memory_space<hbm>> -> memref<1x64x768xf32, #tpu.memory_space<hbm>>
    %dma_wait3A_395 = tpu.memref_squeeze %dma_wait3A_394 : memref<1x64x768xf32, #tpu.memory_space<hbm>> -> memref<64x768xf32, #tpu.memory_space<hbm>>
    %dma_wait3A_396 = arith.constant 0 : i32
    %dma_wait3A_397 = tpu.memref_slice %arg3[%dma_wait3A_392, %add3A_299, %dma_wait3A_396] : memref<4x8192x768xf32, #tpu.memory_space<hbm>> -> memref<1x64x768xf32, #tpu.memory_space<hbm>>
    %dma_wait3A_398 = tpu.memref_squeeze %dma_wait3A_397 : memref<1x64x768xf32, #tpu.memory_space<hbm>> -> memref<64x768xf32, #tpu.memory_space<hbm>>
    tpu.wait_dma2 semaphore(%arg12 : memref<!tpu.dma_semaphore, #tpu.memory_space<semaphore_mem>>) src(%arg4 : memref<64x768xf32, #tpu.memory_space<vmem>>) dst(%dma_wait3A_398 : memref<64x768xf32, #tpu.memory_space<hbm>>)
    %dma_wait3A_399 = arith.constant 1 : i32
    %dma_wait3A_400 = arith.constant 0 : i32
    %dma_wait3A_401 = tpu.memref_slice %arg3[%dma_wait3A_399, %add3A_299, %dma_wait3A_400] : memref<4x8192x768xf32, #tpu.memory_space<hbm>> -> memref<1x64x768xf32, #tpu.memory_space<hbm>>
    %dma_wait3A_402 = tpu.memref_squeeze %dma_wait3A_401 : memref<1x64x768xf32, #tpu.memory_space<hbm>> -> memref<64x768xf32, #tpu.memory_space<hbm>>
    %dma_wait3A_403 = arith.constant 0 : i32
    %dma_wait3A_404 = tpu.memref_slice %arg3[%dma_wait3A_399, %add3A_299, %dma_wait3A_403] : memref<4x8192x768xf32, #tpu.memory_space<hbm>> -> memref<1x64x768xf32, #tpu.memory_space<hbm>>
    %dma_wait3A_405 = tpu.memref_squeeze %dma_wait3A_404 : memref<1x64x768xf32, #tpu.memory_space<hbm>> -> memref<64x768xf32, #tpu.memory_space<hbm>>
    tpu.wait_dma2 semaphore(%arg12 : memref<!tpu.dma_semaphore, #tpu.memory_space<semaphore_mem>>) src(%arg4 : memref<64x768xf32, #tpu.memory_space<vmem>>) dst(%dma_wait3A_405 : memref<64x768xf32, #tpu.memory_space<hbm>>)
    %dma_wait3A_406 = arith.constant 2 : i32
    %dma_wait3A_407 = arith.constant 0 : i32
    %dma_wait3A_408 = tpu.memref_slice %arg3[%dma_wait3A_406, %add3A_299, %dma_wait3A_407] : memref<4x8192x768xf32, #tpu.memory_space<hbm>> -> memref<1x64x768xf32, #tpu.memory_space<hbm>>
    %dma_wait3A_409 = tpu.memref_squeeze %dma_wait3A_408 : memref<1x64x768xf32, #tpu.memory_space<hbm>> -> memref<64x768xf32, #tpu.memory_space<hbm>>
    %dma_wait3A_410 = arith.constant 0 : i32
    %dma_wait3A_411 = tpu.memref_slice %arg3[%dma_wait3A_406, %add3A_299, %dma_wait3A_410] : memref<4x8192x768xf32, #tpu.memory_space<hbm>> -> memref<1x64x768xf32, #tpu.memory_space<hbm>>
    %dma_wait3A_412 = tpu.memref_squeeze %dma_wait3A_411 : memref<1x64x768xf32, #tpu.memory_space<hbm>> -> memref<64x768xf32, #tpu.memory_space<hbm>>
    tpu.wait_dma2 semaphore(%arg12 : memref<!tpu.dma_semaphore, #tpu.memory_space<semaphore_mem>>) src(%arg4 : memref<64x768xf32, #tpu.memory_space<vmem>>) dst(%dma_wait3A_412 : memref<64x768xf32, #tpu.memory_space<hbm>>)
    %dma_wait3A_413 = arith.constant 3 : i32
    %dma_wait3A_414 = arith.constant 0 : i32
    %dma_wait3A_415 = tpu.memref_slice %arg3[%dma_wait3A_413, %add3A_299, %dma_wait3A_414] : memref<4x8192x768xf32, #tpu.memory_space<hbm>> -> memref<1x64x768xf32, #tpu.memory_space<hbm>>
    %dma_wait3A_416 = tpu.memref_squeeze %dma_wait3A_415 : memref<1x64x768xf32, #tpu.memory_space<hbm>> -> memref<64x768xf32, #tpu.memory_space<hbm>>
    %dma_wait3A_417 = arith.constant 0 : i32
    %dma_wait3A_418 = tpu.memref_slice %arg3[%dma_wait3A_413, %add3A_299, %dma_wait3A_417] : memref<4x8192x768xf32, #tpu.memory_space<hbm>> -> memref<1x64x768xf32, #tpu.memory_space<hbm>>
    %dma_wait3A_419 = tpu.memref_squeeze %dma_wait3A_418 : memref<1x64x768xf32, #tpu.memory_space<hbm>> -> memref<64x768xf32, #tpu.memory_space<hbm>>
    tpu.wait_dma2 semaphore(%arg12 : memref<!tpu.dma_semaphore, #tpu.memory_space<semaphore_mem>>) src(%arg4 : memref<64x768xf32, #tpu.memory_space<vmem>>) dst(%dma_wait3A_419 : memref<64x768xf32, #tpu.memory_space<hbm>>)
    %dma_wait3A_420 = arith.constant 0 : i32
    %dma_wait3A_421 = arith.constant 0 : i32
    %dma_wait3A_422 = tpu.memref_slice %arg3[%dma_wait3A_420, %add3A_363, %dma_wait3A_421] : memref<4x8192x768xf32, #tpu.memory_space<hbm>> -> memref<1x64x768xf32, #tpu.memory_space<hbm>>
    %dma_wait3A_423 = tpu.memref_squeeze %dma_wait3A_422 : memref<1x64x768xf32, #tpu.memory_space<hbm>> -> memref<64x768xf32, #tpu.memory_space<hbm>>
    %dma_wait3A_424 = arith.constant 0 : i32
    %dma_wait3A_425 = tpu.memref_slice %arg3[%dma_wait3A_420, %add3A_363, %dma_wait3A_424] : memref<4x8192x768xf32, #tpu.memory_space<hbm>> -> memref<1x64x768xf32, #tpu.memory_space<hbm>>
    %dma_wait3A_426 = tpu.memref_squeeze %dma_wait3A_425 : memref<1x64x768xf32, #tpu.memory_space<hbm>> -> memref<64x768xf32, #tpu.memory_space<hbm>>
    tpu.wait_dma2 semaphore(%arg13 : memref<!tpu.dma_semaphore, #tpu.memory_space<semaphore_mem>>) src(%arg5 : memref<64x768xf32, #tpu.memory_space<vmem>>) dst(%dma_wait3A_426 : memref<64x768xf32, #tpu.memory_space<hbm>>)
    %dma_wait3A_427 = arith.constant 1 : i32
    %dma_wait3A_428 = arith.constant 0 : i32
    %dma_wait3A_429 = tpu.memref_slice %arg3[%dma_wait3A_427, %add3A_363, %dma_wait3A_428] : memref<4x8192x768xf32, #tpu.memory_space<hbm>> -> memref<1x64x768xf32, #tpu.memory_space<hbm>>
    %dma_wait3A_430 = tpu.memref_squeeze %dma_wait3A_429 : memref<1x64x768xf32, #tpu.memory_space<hbm>> -> memref<64x768xf32, #tpu.memory_space<hbm>>
    %dma_wait3A_431 = arith.constant 0 : i32
    %dma_wait3A_432 = tpu.memref_slice %arg3[%dma_wait3A_427, %add3A_363, %dma_wait3A_431] : memref<4x8192x768xf32, #tpu.memory_space<hbm>> -> memref<1x64x768xf32, #tpu.memory_space<hbm>>
    %dma_wait3A_433 = tpu.memref_squeeze %dma_wait3A_432 : memref<1x64x768xf32, #tpu.memory_space<hbm>> -> memref<64x768xf32, #tpu.memory_space<hbm>>
    tpu.wait_dma2 semaphore(%arg13 : memref<!tpu.dma_semaphore, #tpu.memory_space<semaphore_mem>>) src(%arg5 : memref<64x768xf32, #tpu.memory_space<vmem>>) dst(%dma_wait3A_433 : memref<64x768xf32, #tpu.memory_space<hbm>>)
    %dma_wait3A_434 = arith.constant 2 : i32
    %dma_wait3A_435 = arith.constant 0 : i32
    %dma_wait3A_436 = tpu.memref_slice %arg3[%dma_wait3A_434, %add3A_363, %dma_wait3A_435] : memref<4x8192x768xf32, #tpu.memory_space<hbm>> -> memref<1x64x768xf32, #tpu.memory_space<hbm>>
    %dma_wait3A_437 = tpu.memref_squeeze %dma_wait3A_436 : memref<1x64x768xf32, #tpu.memory_space<hbm>> -> memref<64x768xf32, #tpu.memory_space<hbm>>
    %dma_wait3A_438 = arith.constant 0 : i32
    %dma_wait3A_439 = tpu.memref_slice %arg3[%dma_wait3A_434, %add3A_363, %dma_wait3A_438] : memref<4x8192x768xf32, #tpu.memory_space<hbm>> -> memref<1x64x768xf32, #tpu.memory_space<hbm>>
    %dma_wait3A_440 = tpu.memref_squeeze %dma_wait3A_439 : memref<1x64x768xf32, #tpu.memory_space<hbm>> -> memref<64x768xf32, #tpu.memory_space<hbm>>
    tpu.wait_dma2 semaphore(%arg13 : memref<!tpu.dma_semaphore, #tpu.memory_space<semaphore_mem>>) src(%arg5 : memref<64x768xf32, #tpu.memory_space<vmem>>) dst(%dma_wait3A_440 : memref<64x768xf32, #tpu.memory_space<hbm>>)
    %dma_wait3A_441 = arith.constant 3 : i32
    %dma_wait3A_442 = arith.constant 0 : i32
    %dma_wait3A_443 = tpu.memref_slice %arg3[%dma_wait3A_441, %add3A_363, %dma_wait3A_442] : memref<4x8192x768xf32, #tpu.memory_space<hbm>> -> memref<1x64x768xf32, #tpu.memory_space<hbm>>
    %dma_wait3A_444 = tpu.memref_squeeze %dma_wait3A_443 : memref<1x64x768xf32, #tpu.memory_space<hbm>> -> memref<64x768xf32, #tpu.memory_space<hbm>>
    %dma_wait3A_445 = arith.constant 0 : i32
    %dma_wait3A_446 = tpu.memref_slice %arg3[%dma_wait3A_441, %add3A_363, %dma_wait3A_445] : memref<4x8192x768xf32, #tpu.memory_space<hbm>> -> memref<1x64x768xf32, #tpu.memory_space<hbm>>
    %dma_wait3A_447 = tpu.memref_squeeze %dma_wait3A_446 : memref<1x64x768xf32, #tpu.memory_space<hbm>> -> memref<64x768xf32, #tpu.memory_space<hbm>>
    tpu.wait_dma2 semaphore(%arg13 : memref<!tpu.dma_semaphore, #tpu.memory_space<semaphore_mem>>) src(%arg5 : memref<64x768xf32, #tpu.memory_space<vmem>>) dst(%dma_wait3A_447 : memref<64x768xf32, #tpu.memory_space<hbm>>)
    return
  }
}

</mosaic_0001>

<sc_bundles>
// kernel: kernel.3.cloned.1.call-start
scs
__scs_entry_jumppad:
0x0: {  	(pc) =	sbr.rel $0x88, $3  }
0x1: {  	(tag) =	ssettag $0x0;
	lr =	simm.s32 $0x1  }
0x2: {  	[smem:$0x3FA0] =	sst lr;
	_ =	strace $0xD0000000  }
0x3: {  	_ = 	snop  }
0x4: {  	_ = 	snop  }
0x5: {  	_ = 	snop  }
0x6: {  	_ = 	snop  }
0x7: {  	_ = 	snop  }
__scs_overlays_trampoline_lowered:
0x8: {  	[smem:$0x3FAF] =	sst s0  }
0x9: {  	[smem:$0x3FB0] =	sst s1  }
0xa: {  	[smem:$0x3FB1] =	sst s2  }
0xb: {  	[smem:$0x3FB2] =	sst s3  }
0xc: {  	[smem:$0x3FB3] =	sst s4  }
0xd: {  	[smem:$0x3FB4] =	sst s5  }
0xe: {  	[smem:$0x3FB5] =	sst s6  }
0xf: {  	[smem:$0x3FB6] =	sst s7  }
0x10: {  	[smem:$0x3FB7] =	sst s8  }
0x11: {  	[smem:$0x3FB8] =	sst s9;
	s0 =	simm.s32 @!p0 $0x0  }
0x12: {  	s1 =	sld [smem:$0x3F9E];
	s0 =	simm.s32 @p0 $0x1  }
0x13: {  	[smem:$0x3FB9] =	sst s0;
	s0 =	simm.s32 @!p1 $0x0  }
0x14: {  	s2 =	sld [smem:$0x3F9D];
	s0 =	simm.s32 @p1 $0x1  }
0x15: {  	[smem:$0x3FBA] =	sst s0;
	s0 =	simm.s32 @!p2 $0x0  }
0x16: {  	s3 =	sld [smem:$0x3FDB];
	s0 =	simm.s32 @p2 $0x1  }
0x17: {  	s4 =	simm.s32 $0x1BF5;
	[smem:$0x3FBC] =	sst s0  }
0x18: {  	s0 =	sld [smem:$0x3F9F];
	_ =	swait.ge [sflag:s4], $0x0  }
0x19: {  	s7 =	sld [smem:$0x3FA0]  }
0x1a: {  	s8 =	sadd.s32 $0xFFFFE003, lr  }
0x1b: {  	s9 =	sadd.s32 $0xFFFFFEF7, lr;
	s5 =	simm.s32 $0xFFFFFFFF;
	p2 =	slt.u32 s8, $0xFFFFF086  }
0x1c: {  	p1 =	slt.u32 s9, $0xF7A;
	s5 =	simm.s32 @!p2 $0x0  }
0x1d: {  	s5 =	simm.s32 @p1 $0x1;
	p0 =	seq.s32 s7, s2  }
0x1e: {  	s7 =	smul.u32 @!p0 $0xF7A, s2;
	p2 =	seq.s32 @!p0 s5, $0x0  }
0x1f: {  	s9 =	smul.u32 $0xF7A, s1;
	s8 =	simm.s32 @!p0 $0x1BF5;
	p2 =	por !p2, p0  }
0x20: {  	[sflag:s8] =	ssyncset.s32 @!p0 $0xFFFFF086;
	s6 =	sadd.s32 @!p0 s3, s7;
	s7 =	simm.s32 @!p0 $0x108  }
0x21: {  	s3 =	sadd.s32 s3, s9;
	s6 =	sadd.s32 @!p0 $0x88, s6;
	s7 =	simm.s32 @p2 $0x1082  }
0x22: {  	[simem:s7], [sflag:s8] =	dma.local @!p0 [hbm:s6], $0xF7A  }
0x23: {  	s9 =	sor.u32 $0xD0000000, s2;
	s6 =	simm.s32 $0x108;
	_ =	swait.ge @!p0 [sflag:s8], $0x0  }
0x24: {  	s3 =	sadd.s32 $0x88, s3;
	s6 =	simm.s32 @!p1 $0x1082;
	[sflag:s4] =	ssyncset.s32 $0xFFFFF086  }
0x25: {  	[simem:s6], [sflag:s4] =	dma.local [hbm:s3], $0xF7A  }
0x26: {  	[smem:$0x3FA0] =	sst s1;
	(tag) =	ssettag s2;
	_ =	strace s9  }
0x27: {  	s1 =	sld [smem:$0x3FB0]  }
0x28: {  	s2 =	sld [smem:$0x3FB1]  }
0x29: {  	s4 =	sld [smem:$0x3FB3]  }
0x2a: {  	p0 =	seq.s32 s5, $0x0;
	s5 =	sld [smem:$0x3FB4]  }
0x2b: {  	s6 =	sld [smem:$0x3FB5]  }
0x2c: {  	s7 =	sld [smem:$0x3FB6]  }
0x2d: {  	s3 =	simm.s32 $0x108;
	s8 =	sld [smem:$0x3FB7]  }
0x2e: {  	s3 =	simm.s32 @!p0 $0x1082;
	s9 =	sld [smem:$0x3FB8]  }
0x2f: {  	lr =	sadd.s32 s0, s3;
	s0 =	sld [smem:$0x3FAF]  }
0x30: {  	s3 =	sld [smem:$0x3FB2]  }
0x31: {  	[smem:$0x3FBB] =	sst s10  }
0x32: {  	s10 =	sld [smem:$0x3FB9];
	_ =	sdelay $0x3  }
0x33: {  	p0 =	seq.s32 s10, $0x1;
	s10 =	sld [smem:$0x3FBB];
	_ =	sdelay $0x3  }
0x34: {  	[smem:$0x3FBB] =	sst s10  }
0x35: {  	s10 =	sld [smem:$0x3FBA];
	_ =	sdelay $0x3  }
0x36: {  	p1 =	seq.s32 s10, $0x1;
	s10 =	sld [smem:$0x3FBB];
	_ =	sdelay $0x3  }
0x37: {  	[smem:$0x3FBB] =	sst s10  }
0x38: {  	s10 =	sld [smem:$0x3FBC]  }
0x39: {  	_ = 	snop;
	(pc) =	sbr.ind lr, $3  }
0x3a: {  	_ = 	snop  }
0x3b: {  	_ = 	snop  }
0x3c: {  	p2 =	seq.s32 s10, $0x1;
	s10 =	sld [smem:$0x3FBB]  }
0x3d: {  	_ =	shalt  }
0x3e: {  	_ =	shalt  }
0x3f: {  	_ =	shalt  }
0x40: {  	_ =	shalt  }
0x41: {  	_ =	shalt  }
0x42: {  	_ =	shalt  }
0x43: {  	_ =	shalt  }
0x44: {  	_ =	shalt  }
0x45: {  	_ =	shalt  }
0x46: {  	_ =	shalt  }
0x47: {  	_ =	shalt  }
0x48: {  	_ =	shalt  }
0x49: {  	_ =	shalt  }
0x4a: {  	_ =	shalt  }
0x4b: {  	_ =	shalt  }
0x4c: {  	_ =	shalt  }
0x4d: {  	_ =	shalt  }
0x4e: {  	_ =	shalt  }
0x4f: {  	_ =	shalt  }
0x50: {  	_ =	shalt  }
0x51: {  	_ =	shalt  }
0x52: {  	_ =	shalt  }
0x53: {  	_ =	shalt  }
0x54: {  	_ =	shalt  }
0x55: {  	_ =	shalt  }
0x56: {  	_ =	shalt  }
0x57: {  	_ =	shalt  }
0x58: {  	_ =	shalt  }
0x59: {  	_ =	shalt  }
0x5a: {  	_ =	shalt  }
0x5b: {  	_ =	shalt  }
0x5c: {  	_ =	shalt  }
0x5d: {  	_ =	shalt  }
0x5e: {  	_ =	shalt  }
0x5f: {  	_ =	shalt  }
0x60: {  	_ =	shalt  }
0x61: {  	_ =	shalt  }
0x62: {  	_ =	shalt  }
0x63: {  	_ =	shalt  }
0x64: {  	_ =	shalt  }
0x65: {  	_ =	shalt  }
0x66: {  	_ =	shalt  }
0x67: {  	_ =	shalt  }
0x68: {  	_ =	shalt  }
0x69: {  	_ =	shalt  }
0x6a: {  	_ =	shalt  }
0x6b: {  	_ =	shalt  }
0x6c: {  	_ =	shalt  }
0x6d: {  	_ =	shalt  }
0x6e: {  	_ =	shalt  }
0x6f: {  	_ =	shalt  }
0x70: {  	_ =	shalt  }
0x71: {  	_ =	shalt  }
0x72: {  	_ =	shalt  }
0x73: {  	_ =	shalt  }
0x74: {  	_ =	shalt  }
0x75: {  	_ =	shalt  }
0x76: {  	_ =	shalt  }
0x77: {  	_ =	shalt  }
0x78: {  	_ =	shalt  }
0x79: {  	_ =	shalt  }
0x7a: {  	_ =	shalt  }
0x7b: {  	_ =	shalt  }
0x7c: {  	_ =	shalt  }
0x7d: {  	_ =	shalt  }
0x7e: {  	_ =	shalt  }
0x7f: {  	_ =	shalt  }
0x80: {  	_ =	shalt  }
0x81: {  	_ =	shalt  }
0x82: {  	_ =	shalt  }
0x83: {  	_ =	shalt  }
0x84: {  	_ =	shalt  }
0x85: {  	_ =	shalt  }
0x86: {  	_ =	shalt  }
0x87: {  	_ =	shalt  }
.Lfunc_end0:
.L_simem_size_0:
called_computation_lowered:
.L_overlay_start_0:
0x88: {  	s2 =	sld [smem:$0x3FD9]  }
0x89: {  	s3 =	sld [smem:$0x3FFE];
	_ =	sdelay $0x1  }
0x8a: {  	s1 =	srdreg.scid  }
0x8b: {  	s0 =	sand.u32 $0x1, s1  }
0x8c: {  	s18 =	sshll.u32 s0, $0xA;
	s2 =	sadd.s32 s3, s2  }
0x8d: {  	s2 =	sadd.s32 s2, s18  }
0x8e: {  	[smem:$0x3FC7] =	sst s2  }
0x8f: {  	_ = 	snop  }
0x90: {  	s2 =	sld [smem:$0x3FC9]  }
0x91: {  	s19 =	sld [smem:$0x3FD0];
	(tm) =	ssettm $0x1  }
0x92: {  	s4 =	sld [smem:$0x3FFB];
	_ =	sdelay $0x3  }
0x93: {  	_ =	strace s4  }
0x94: {  	s4 =	sld [smem:$0x3FFC];
	_ =	sdelay $0x3  }
0x95: {  	_ =	strace s4  }
0x96: {  	s4 =	sld [smem:$0x3FFD];
	_ =	sdelay $0x3  }
0x97: {  	_ =	strace s4  }
0x98: {  	_ =	strace $0x8FFFFFFF  }
0x99: {  	s20 =	sld [smem:$0x3FDB];
	_ =	sdelay $0x1  }
0x9a: {  	s5 =	simm.s32 $_scs_section_size  }
0x9b: {  	s6 =	simm.s32 $_size__tile_overlayer_lowered;
	s7 =	simm.s32 $_tile_overlayer_lowered  }
0x9c: {  	s23 =	simm.s32 $0x1BFF;
	s22 =	sshll.u32 s7, $0x1;
	s4 =	sadd.s32 s5, s20  }
0x9d: {  	s8 =	simm.s32 $0x0;
	s21 =	sshll.u32 s6, $0x1;
	s6 =	sadd.s32 s22, s4  }
0x9e: {  	[timem:s8], [sflag:s23] =	dma.local [hbm:s6], s21  }
0x9f: {  	_ =	swait.ge [sflag:s23], s21  }
0xa0: {  	s5 =	ssub.s32 $0x0, s21;
	[sflag:s23] =	ssyncset.done $0x0  }
0xa1: {  	[sflag:s23] =	ssyncadd.s32 s5;
	_ =	sdelay $0x1  }
0xa2: {  	s24 =	simm.s32 $0x1B8B  }
0xa3: {  	_ =	swait.ge [sflag:s24], $0x1  }
0xa4: {  	[sflag:s24] =	ssyncset.done $0x0  }
0xa5: {  	s25 =	simm.s32 $0x1B8E;
	[sflag:s24] =	ssyncadd.s32 $0xFFFFFFFF  }
0xa6: {  	s26 =	simm.s32 $execute0_lowered;
	[smem:$0x3FD2] =	sst s25  }
0xa7: {  	s5 =	sshll.u32 s26, $0x1;
	_ =	strace $0x80000046;
	[dreg:$0x1] =	wrdreg $0xFFFFFFFF  }
0xa8: {  	s28 =	simm.s32 $_size_execute0_lowered;
	s4 =	sadd.s32 s4, s5;
	[dreg:$0x0] =	wrdreg $0x0  }
0xa9: {  	s5 =	sshll.u32 s28, $0x1;
	[dreg:$0x2] =	wrdreg s4  }
0xaa: {  	[dreg:$0x3] =	wrdreg s5  }
0xab: {  	[dreg:$0x4] =	wrdreg $0xC0  }
0xac: {  	_ =	task [dreg:s8], $0x5FFFF  }
0xad: {  	[dreg:$0x1] =	wrdreg $0xFFFFFFFF  }
0xae: {  	[dreg:$0x0] =	wrdreg $0x60  }
0xaf: {  	[dreg:$0x2] =	wrdreg s2  }
0xb0: {  	[dreg:$0x3] =	wrdreg s19  }
0xb1: {  	[dreg:$0x4] =	wrdreg $0x9  }
0xb2: {  	_ =	task.clear_ibuf [dreg:s8], $0x5FFFF;
	_ =	strace $0x90000046  }
0xb3: {  	s29 =	simm.s32 $0x9;
	_ =	strace $0x80000048  }
0xb4: {  	_ =	swait.ge [sflag:s29], $0x1  }
0xb5: {  	[sflag:s29] =	ssyncadd.s32 $0xFFFFFFFF  }
0xb6: {  	_ =	strace $0x90000048  }
0xb7: {  	_ =	sfence  }
0xb8: {  	s30 =	sld [smem:$0x0];
	_ =	sdelay $0x2  }
0xb9: {  	s31 =	sshll.u32 s1, $0xD;
	s1 =	sshrl.u32 s1, $0x2  }
0xba: {  	s3 =	sand.u32 $0x4000, s31;
	s1 =	sadd.s32 s1, s30  }
0xbb: {  	s0 =	sor.u32 s3, s0;
	s1 =	sshll.u32 s1, $0x11  }
0xbc: {  	s0 =	sor.u32 s1, s0  }
0xbd: {  	s0 =	sadd.s32 $0x8F2B, s0  }
0xbe: {  	[sflag:s0] =	ssyncadd.remote.s32 $0x1  }
0xbf: {  	_ =	sfence.sel $0xFFFF  }
0xc0: {  	[dreg:$0x0] =	wrdreg $0xFFFFFFFF;
	(pc) =	sbr.abs _section_cstart, $3  }
0xc1: {  	[dreg:$0x1] =	wrdreg $0xFFFFFFFF  }
0xc2: {  	_ =	task.clear_ibuf [dreg:s8], $0x2FFFF;
	_ =	strace $0x9FFFFFFF  }
0xc3: {  	(tm) =	ssettm $0x7FFFFFFF  }
tec
execute0_lowered:
.L_overlay_start_1:
0x0: {  	(tag) =	ssettag $0x1  }
0x1: {  	s0 =	srdreg.scid;
	s2 =	rddreg [dreg:$0x0]  }
0x2: {  	s1 =	stileid.u32;
	s4 =	rddreg [dreg:$0x1]  }
0x3: {  	s30 =	simm.s32 $0x9000;
	s31 =	simm.s32 $0xA000;
	s0 =	sand.u32 $0x1, s0  }
0x4: {  	s1 =	sshll.u32 s1, $0x9;
	s3 =	sshll.u32 s0, $0x8;
	s0 =	ssub.s32 $0x2, s0  }
0x5: {  	s1 =	sor.u32 s3, s1;
	s3 =	simm.s32 $0x0;
	s6 =	sshrl.u32 s0, $0x1  }
0x6: {  	s5 =	sshrl.u32 s1, $0x3;
	[smem:$0x7FF] =	sst s3;
	s7 =	ssub.s32 s0, s6  }
0x7: {  	s8 =	sor.u32 $0x2, s1;
	s9 =	sor.u32 $0x12, s1;
	s13 =	sor.u32 $0x22, s1  }
0x8: {  	s0 =	sor.u32 $0x32, s1;
	s16 =	sor.u32 $0x42, s1;
	s5 =	smul.u32 $0x1800, s5  }
0x9: {  	s17 =	sor.u32 $0x52, s1;
	s19 =	sor.u32 $0x62, s1;
	s28 =	sor.u32 $0xE2, s1  }
0xa: {  	v18 =	vlaneseq.u32;
	s29 =	sor.u32 $0xF2, s1;
	_ =	strace $0x80000047;
	s5 =	sshrl.u32 s5, $0x3  }
0xb: {  	s7 =	smax.u32 s7, $0x1;
	v0 =	vadd.s32 s8, v18;
	s8 =	simm.s32 $0x3;
	s4 =	sadd.s32 s4, s5  }
0xc: {  	v1 =	vadd.s32 s9, v18;
	s9 =	simm.s32 $0x4;
	s5 =	sadd.s32 $0xC0000, s4;
	[dreg:$0x12] =	wrdreg s4  }
0xd: {  	v2 =	vadd.s32 s13, v18;
	s13 =	simm.s32 $0x1000;
	s20 =	sadd.s32 $0x180000, s4;
	[dreg:$0x3] =	wrdreg s5  }
0xe: {  	v4 =	vadd.s32 s16, v18;
	s16 =	simm.s32 $0x2800;
	s21 =	sadd.s32 $0x240000, s4;
	[dreg:$0x4] =	wrdreg s20  }
0xf: {  	v5 =	vadd.s32 s17, v18;
	s17 =	simm.s32 $0x3000;
	s22 =	sadd.s32 $0x1800, s4;
	[dreg:$0x5] =	wrdreg s21  }
0x10: {  	v6 =	vadd.s32 s19, v18;
	s19 =	simm.s32 $0x4000;
	s23 =	sadd.s32 $0xC1800, s4;
	[dreg:$0x6] =	wrdreg s22  }
0x11: {  	v14 =	vadd.s32 s28, v18;
	s28 =	simm.s32 $0x8000;
	s24 =	sadd.s32 $0x181800, s4;
	[dreg:$0x7] =	wrdreg s23  }
0x12: {  	v15 =	vadd.s32 s29, v18;
	s29 =	simm.s32 $0x8800;
	s25 =	sadd.s32 $0x241800, s4;
	[dreg:$0x8] =	wrdreg s24  }
0x13: {  	s26 =	sadd.s32 $0x3000, s4;
	s6 =	sadd.s32 $0xC3000, s4;
	[dreg:$0x9] =	wrdreg s25  }
0x14: {  	s10 =	sadd.s32 $0x183000, s4;
	s11 =	sadd.s32 $0x243000, s4;
	[dreg:$0xa] =	wrdreg s26  }
0x15: {  	s12 =	sadd.s32 $0x4800, s4;
	s14 =	sadd.s32 $0xC4800, s4;
	[dreg:$0xb] =	wrdreg s6  }
0x16: {  	s15 =	sadd.s32 $0x184800, s4;
	s18 =	sadd.s32 $0x244800, s4;
	[dreg:$0xc] =	wrdreg s10  }
0x17: {  	s4 =	simm.s32 $0xC000;
	s20 =	sor.u32 $0x72, s1;
	[dreg:$0xd] =	wrdreg s11  }
0x18: {  	s21 =	sor.u32 $0x82, s1;
	s22 =	sor.u32 $0x92, s1;
	[dreg:$0xe] =	wrdreg s12  }
0x19: {  	s23 =	sor.u32 $0xA2, s1;
	s24 =	sor.u32 $0xB2, s1;
	[dreg:$0xf] =	wrdreg s14  }
0x1a: {  	s25 =	sor.u32 $0xC2, s1;
	s26 =	sor.u32 $0xD2, s1;
	[dreg:$0x10] =	wrdreg s15  }
0x1b: {  	v17 =	vshrl.u32 v18, $0x3;
	s5 =	sadd.s32 $0x100, s2;
	s6 =	sadd.s32 $0x200, s2;
	[dreg:$0x11] =	wrdreg s18  }
0x1c: {  	vm0 =	vmmov $0xffff;
	v16 =	vand.u32 $0x7, v18;
	v17 =	vmul.u32 $0x8, v17;
	s12 =	simm.s32 $0x800;
	s14 =	simm.s32 $0x1800;
	s15 =	simm.s32 $0x2000  }
0x1d: {  	v3 =	vadd.s32 s0, v18;
	s18 =	simm.s32 $0x3800;
	s1 =	simm.s32 $0x2;
	v7 =	vadd.s32 s20, v18;
	v8 =	vadd.s32 s21, v18;
	s20 =	simm.s32 $0x4800  }
0x1e: {  	v9 =	vadd.s32 s22, v18;
	v10 =	vadd.s32 s23, v18;
	v11 =	vadd.s32 s24, v18;
	s21 =	simm.s32 $0x5000;
	s22 =	simm.s32 $0x5800;
	s23 =	simm.s32 $0x6000  }
0x1f: {  	v12 =	vadd.s32 s25, v18;
	v13 =	vadd.s32 s26, v18;
	v18 =	vor.u32 $0x8, v18;
	s24 =	simm.s32 $0x6800;
	s25 =	simm.s32 $0x7000;
	s26 =	simm.s32 $0x7800  }
.LBB2_1:
0x20: {  	[tilespmem:$0x18000] =	vst v0  }
0x21: {  	v19 =	vld [tilespmem:$0x18000]  }
0x22: {  	[tilespmem:$0x18010] =	vst v1  }
0x23: {  	[tilespmem:$0x18020] =	vst v2  }
0x24: {  	[tilespmem:$0x18030] =	vst v3  }
0x25: {  	[tilespmem:$0x18080] =	vst v4  }
0x26: {  	[tilespmem:$0x18090] =	vst v5;
	v20 =	vshrl.u32 v19, $0x3  }
0x27: {  	[tilespmem:$0x180A0] =	vst v6;
	v20 =	vmul.u32 $0x30, v20  }
0x28: {  	[tilespmem:$0x180B0] =	vst v7;
	v19 =	vand.u32 $0x7, v19  }
0x29: {  	[tilespmem:$0x18100] =	vst v8;
	v19 =	vor.u32 v19, v20  }
0x2a: {  	[tilespmem:$0x18110] =	vst v9;
	v20 =	vperm.xlane v19, v16  }
0x2b: {  	[tilespmem:$0x18120] =	vst v10  }
0x2c: {  	[tilespmem:$0x18130] =	vst v11;
	v20 =	vadd.s32 v17, v20  }
0x2d: {  	[tilespmem:$0x18180] =	vst v12  }
0x2e: {  	[tilespmem:$0x18190] =	vst v13  }
0x2f: {  	[tilespmem:$0x181A0] =	vst v14  }
0x30: {  	[tilespmem:$0x181B0] =	vst v15;
	v19 =	vperm.xlane v19, v18  }
0x31: {  	[tilespmem:s3], [sflag:$0x1] =	stream.indirect_vreg.gather [hbm4b:s2+s3], $0x80, v20, vm0, $0xb8;
	[tilespmem:$0x18200] =	vst v63  }
0x32: {  	v19 =	vadd.s32 v17, v19  }
0x33: {  	[tilespmem:s12], [sflag:$0x1] =	stream.indirect_vreg.gather [hbm4b:s5+s3], $0x80, v20, vm0, $0xb8;
	[tilespmem:$0x18200] =	vst v63  }
0x34: {  	_ = 	snop  }
0x35: {  	[tilespmem:s13], [sflag:$0x1] =	stream.indirect_vreg.gather [hbm4b:s6+s3], $0x80, v20, vm0, $0xb8;
	[tilespmem:$0x18200] =	vst v63  }
0x36: {  	_ = 	snop  }
0x37: {  	[tilespmem:s14], [sflag:$0x1] =	stream.indirect_vreg.gather [hbm4b:s2+s3], $0x80, v19, vm0, $0xb8;
	[tilespmem:$0x18200] =	vst v63  }
0x38: {  	_ = 	snop  }
0x39: {  	[tilespmem:s15], [sflag:$0x1] =	stream.indirect_vreg.gather [hbm4b:s5+s3], $0x80, v19, vm0, $0xb8;
	[tilespmem:$0x18200] =	vst v63  }
0x3a: {  	_ = 	snop  }
0x3b: {  	[tilespmem:s16], [sflag:$0x1] =	stream.indirect_vreg.gather [hbm4b:s6+s3], $0x80, v19, vm0, $0xb8;
	[tilespmem:$0x18200] =	vst v63  }
0x3c: {  	v19 =	vld [tilespmem:$0x18010];
	_ =	sdelay $0x4  }
0x3d: {  	v20 =	vshrl.u32 v19, $0x3  }
0x3e: {  	v20 =	vmul.u32 $0x30, v20  }
0x3f: {  	v19 =	vand.u32 $0x7, v19  }
0x40: {  	v19 =	vor.u32 v19, v20  }
0x41: {  	v20 =	vperm.xlane v19, v16;
	_ =	sdelay $0x1  }
0x42: {  	v20 =	vadd.s32 v17, v20;
	_ =	sdelay $0x3  }
0x43: {  	v19 =	vperm.xlane v19, v18  }
0x44: {  	[tilespmem:s17], [sflag:$0x1] =	stream.indirect_vreg.gather [hbm4b:s2+s3], $0x80, v20, vm0, $0xb8;
	[tilespmem:$0x18200] =	vst v63  }
0x45: {  	v19 =	vadd.s32 v17, v19  }
0x46: {  	[tilespmem:s18], [sflag:$0x1] =	stream.indirect_vreg.gather [hbm4b:s5+s3], $0x80, v20, vm0, $0xb8;
	[tilespmem:$0x18200] =	vst v63  }
0x47: {  	_ = 	snop  }
0x48: {  	[tilespmem:s19], [sflag:$0x1] =	stream.indirect_vreg.gather [hbm4b:s6+s3], $0x80, v20, vm0, $0xb8;
	[tilespmem:$0x18200] =	vst v63  }
0x49: {  	_ = 	snop  }
0x4a: {  	[tilespmem:s20], [sflag:$0x1] =	stream.indirect_vreg.gather [hbm4b:s2+s3], $0x80, v19, vm0, $0xb8;
	[tilespmem:$0x18200] =	vst v63  }
0x4b: {  	_ = 	snop  }
0x4c: {  	[tilespmem:s21], [sflag:$0x1] =	stream.indirect_vreg.gather [hbm4b:s5+s3], $0x80, v19, vm0, $0xb8;
	[tilespmem:$0x18200] =	vst v63  }
0x4d: {  	_ = 	snop  }
0x4e: {  	[tilespmem:s22], [sflag:$0x1] =	stream.indirect_vreg.gather [hbm4b:s6+s3], $0x80, v19, vm0, $0xb8;
	[tilespmem:$0x18200] =	vst v63  }
0x4f: {  	v19 =	vld [tilespmem:$0x18020];
	_ =	sdelay $0x4  }
0x50: {  	v20 =	vshrl.u32 v19, $0x3  }
0x51: {  	v20 =	vmul.u32 $0x30, v20  }
0x52: {  	v19 =	vand.u32 $0x7, v19  }
0x53: {  	v19 =	vor.u32 v19, v20  }
0x54: {  	v20 =	vperm.xlane v19, v16;
	_ =	sdelay $0x1  }
0x55: {  	v20 =	vadd.s32 v17, v20;
	_ =	sdelay $0x3  }
0x56: {  	v19 =	vperm.xlane v19, v18  }
0x57: {  	[tilespmem:s23], [sflag:$0x1] =	stream.indirect_vreg.gather [hbm4b:s2+s3], $0x80, v20, vm0, $0xb8;
	[tilespmem:$0x18200] =	vst v63  }
0x58: {  	v19 =	vadd.s32 v17, v19  }
0x59: {  	[tilespmem:s24], [sflag:$0x1] =	stream.indirect_vreg.gather [hbm4b:s5+s3], $0x80, v20, vm0, $0xb8;
	[tilespmem:$0x18200] =	vst v63  }
0x5a: {  	_ = 	snop  }
0x5b: {  	[tilespmem:s25], [sflag:$0x1] =	stream.indirect_vreg.gather [hbm4b:s6+s3], $0x80, v20, vm0, $0xb8;
	[tilespmem:$0x18200] =	vst v63  }
0x5c: {  	_ = 	snop  }
0x5d: {  	[tilespmem:s26], [sflag:$0x1] =	stream.indirect_vreg.gather [hbm4b:s2+s3], $0x80, v19, vm0, $0xb8;
	[tilespmem:$0x18200] =	vst v63  }
0x5e: {  	_ = 	snop  }
0x5f: {  	[tilespmem:s28], [sflag:$0x1] =	stream.indirect_vreg.gather [hbm4b:s5+s3], $0x80, v19, vm0, $0xb8;
	[tilespmem:$0x18200] =	vst v63  }
0x60: {  	_ = 	snop  }
0x61: {  	[tilespmem:s29], [sflag:$0x1] =	stream.indirect_vreg.gather [hbm4b:s6+s3], $0x80, v19, vm0, $0xb8;
	[tilespmem:$0x18200] =	vst v63  }
0x62: {  	v19 =	vld [tilespmem:$0x18030];
	_ =	sdelay $0x4  }
0x63: {  	v20 =	vshrl.u32 v19, $0x3  }
0x64: {  	v20 =	vmul.u32 $0x30, v20  }
0x65: {  	v19 =	vand.u32 $0x7, v19  }
0x66: {  	v19 =	vor.u32 v19, v20  }
0x67: {  	v20 =	vperm.xlane v19, v16;
	_ =	sdelay $0x1  }
0x68: {  	v20 =	vadd.s32 v17, v20;
	_ =	sdelay $0x3  }
0x69: {  	v19 =	vperm.xlane v19, v18  }
0x6a: {  	[tilespmem:s30], [sflag:$0x1] =	stream.indirect_vreg.gather [hbm4b:s2+s3], $0x80, v20, vm0, $0xb8;
	[tilespmem:$0x18200] =	vst v63  }
0x6b: {  	s0 =	simm.s32 $0x9800;
	v19 =	vadd.s32 v17, v19  }
0x6c: {  	[tilespmem:s0], [sflag:$0x1] =	stream.indirect_vreg.gather [hbm4b:s5+s3], $0x80, v20, vm0, $0xb8;
	[tilespmem:$0x18200] =	vst v63  }
0x6d: {  	_ = 	snop  }
0x6e: {  	[tilespmem:s31], [sflag:$0x1] =	stream.indirect_vreg.gather [hbm4b:s6+s3], $0x80, v20, vm0, $0xb8;
	[tilespmem:$0x18200] =	vst v63  }
0x6f: {  	s11 =	simm.s32 $0xA800  }
0x70: {  	[tilespmem:s11], [sflag:$0x1] =	stream.indirect_vreg.gather [hbm4b:s2+s3], $0x80, v19, vm0, $0xb8;
	[tilespmem:$0x18200] =	vst v63  }
0x71: {  	s10 =	simm.s32 $0xB000  }
0x72: {  	[tilespmem:s10], [sflag:$0x1] =	stream.indirect_vreg.gather [hbm4b:s5+s3], $0x80, v19, vm0, $0xb8;
	[tilespmem:$0x18200] =	vst v63  }
0x73: {  	s11 =	simm.s32 $0xB800  }
0x74: {  	[tilespmem:s11], [sflag:$0x1] =	stream.indirect_vreg.gather [hbm4b:s6+s3], $0x80, v19, vm0, $0xb8;
	[tilespmem:$0x18200] =	vst v63  }
0x75: {  	v19 =	vld [tilespmem:$0x18080];
	_ =	sdelay $0x4  }
0x76: {  	v20 =	vshrl.u32 v19, $0x3  }
0x77: {  	v20 =	vmul.u32 $0x30, v20  }
0x78: {  	v19 =	vand.u32 $0x7, v19  }
0x79: {  	v19 =	vor.u32 v19, v20  }
0x7a: {  	v20 =	vperm.xlane v19, v16;
	_ =	sdelay $0x1  }
0x7b: {  	v20 =	vadd.s32 v17, v20;
	_ =	sdelay $0x3  }
0x7c: {  	v19 =	vperm.xlane v19, v18  }
0x7d: {  	[tilespmem:s4], [sflag:$0x2] =	stream.indirect_vreg.gather [hbm4b:s2+s3], $0x80, v20, vm0, $0xb8;
	[tilespmem:$0x18200] =	vst v63  }
0x7e: {  	s10 =	simm.s32 $0xC800;
	v19 =	vadd.s32 v17, v19  }
0x7f: {  	[tilespmem:s10], [sflag:$0x2] =	stream.indirect_vreg.gather [hbm4b:s5+s3], $0x80, v20, vm0, $0xb8;
	[tilespmem:$0x18200] =	vst v63  }
0x80: {  	s11 =	simm.s32 $0xD000  }
0x81: {  	[tilespmem:s11], [sflag:$0x2] =	stream.indirect_vreg.gather [hbm4b:s6+s3], $0x80, v20, vm0, $0xb8;
	[tilespmem:$0x18200] =	vst v63  }
0x82: {  	s10 =	simm.s32 $0xD800  }
0x83: {  	[tilespmem:s10], [sflag:$0x2] =	stream.indirect_vreg.gather [hbm4b:s2+s3], $0x80, v19, vm0, $0xb8;
	[tilespmem:$0x18200] =	vst v63  }
0x84: {  	s11 =	simm.s32 $0xE000  }
0x85: {  	[tilespmem:s11], [sflag:$0x2] =	stream.indirect_vreg.gather [hbm4b:s5+s3], $0x80, v19, vm0, $0xb8;
	[tilespmem:$0x18200] =	vst v63  }
0x86: {  	s10 =	simm.s32 $0xE800  }
0x87: {  	[tilespmem:s10], [sflag:$0x2] =	stream.indirect_vreg.gather [hbm4b:s6+s3], $0x80, v19, vm0, $0xb8;
	[tilespmem:$0x18200] =	vst v63  }
0x88: {  	v19 =	vld [tilespmem:$0x18090];
	_ =	sdelay $0x4  }
0x89: {  	v20 =	vshrl.u32 v19, $0x3  }
0x8a: {  	v20 =	vmul.u32 $0x30, v20  }
0x8b: {  	v19 =	vand.u32 $0x7, v19  }
0x8c: {  	v19 =	vor.u32 v19, v20  }
0x8d: {  	v20 =	vperm.xlane v19, v16;
	_ =	sdelay $0x1  }
0x8e: {  	v20 =	vadd.s32 v17, v20;
	_ =	sdelay $0x3  }
0x8f: {  	s11 =	simm.s32 $0xF000;
	v19 =	vperm.xlane v19, v18  }
0x90: {  	[tilespmem:s11], [sflag:$0x2] =	stream.indirect_vreg.gather [hbm4b:s2+s3], $0x80, v20, vm0, $0xb8;
	[tilespmem:$0x18200] =	vst v63  }
0x91: {  	s10 =	simm.s32 $0xF800;
	v19 =	vadd.s32 v17, v19  }
0x92: {  	[tilespmem:s10], [sflag:$0x2] =	stream.indirect_vreg.gather [hbm4b:s5+s3], $0x80, v20, vm0, $0xb8;
	[tilespmem:$0x18200] =	vst v63  }
0x93: {  	s11 =	simm.s32 $0x10000  }
0x94: {  	[tilespmem:s11], [sflag:$0x2] =	stream.indirect_vreg.gather [hbm4b:s6+s3], $0x80, v20, vm0, $0xb8;
	[tilespmem:$0x18200] =	vst v63  }
0x95: {  	s10 =	simm.s32 $0x10800  }
0x96: {  	[tilespmem:s10], [sflag:$0x2] =	stream.indirect_vreg.gather [hbm4b:s2+s3], $0x80, v19, vm0, $0xb8;
	[tilespmem:$0x18200] =	vst v63  }
0x97: {  	s11 =	simm.s32 $0x11000  }
0x98: {  	[tilespmem:s11], [sflag:$0x2] =	stream.indirect_vreg.gather [hbm4b:s5+s3], $0x80, v19, vm0, $0xb8;
	[tilespmem:$0x18200] =	vst v63  }
0x99: {  	s10 =	simm.s32 $0x11800  }
0x9a: {  	[tilespmem:s10], [sflag:$0x2] =	stream.indirect_vreg.gather [hbm4b:s6+s3], $0x80, v19, vm0, $0xb8;
	[tilespmem:$0x18200] =	vst v63  }
0x9b: {  	v19 =	vld [tilespmem:$0x180A0];
	_ =	sdelay $0x4  }
0x9c: {  	v20 =	vshrl.u32 v19, $0x3  }
0x9d: {  	v20 =	vmul.u32 $0x30, v20  }
0x9e: {  	v19 =	vand.u32 $0x7, v19  }
0x9f: {  	v19 =	vor.u32 v19, v20  }
0xa0: {  	v20 =	vperm.xlane v19, v16;
	_ =	sdelay $0x1  }
0xa1: {  	v20 =	vadd.s32 v17, v20;
	_ =	sdelay $0x3  }
0xa2: {  	s11 =	simm.s32 $0x12000;
	v19 =	vperm.xlane v19, v18  }
0xa3: {  	[tilespmem:s11], [sflag:$0x2] =	stream.indirect_vreg.gather [hbm4b:s2+s3], $0x80, v20, vm0, $0xb8;
	[tilespmem:$0x18200] =	vst v63  }
0xa4: {  	s10 =	simm.s32 $0x12800;
	v19 =	vadd.s32 v17, v19  }
0xa5: {  	[tilespmem:s10], [sflag:$0x2] =	stream.indirect_vreg.gather [hbm4b:s5+s3], $0x80, v20, vm0, $0xb8;
	[tilespmem:$0x18200] =	vst v63  }
0xa6: {  	s11 =	simm.s32 $0x13000  }
0xa7: {  	[tilespmem:s11], [sflag:$0x2] =	stream.indirect_vreg.gather [hbm4b:s6+s3], $0x80, v20, vm0, $0xb8;
	[tilespmem:$0x18200] =	vst v63  }
0xa8: {  	s10 =	simm.s32 $0x13800  }
0xa9: {  	[tilespmem:s10], [sflag:$0x2] =	stream.indirect_vreg.gather [hbm4b:s2+s3], $0x80, v19, vm0, $0xb8;
	[tilespmem:$0x18200] =	vst v63  }
0xaa: {  	s11 =	simm.s32 $0x14000  }
0xab: {  	[tilespmem:s11], [sflag:$0x2] =	stream.indirect_vreg.gather [hbm4b:s5+s3], $0x80, v19, vm0, $0xb8;
	[tilespmem:$0x18200] =	vst v63  }
0xac: {  	s10 =	simm.s32 $0x14800  }
0xad: {  	[tilespmem:s10], [sflag:$0x2] =	stream.indirect_vreg.gather [hbm4b:s6+s3], $0x80, v19, vm0, $0xb8;
	[tilespmem:$0x18200] =	vst v63  }
0xae: {  	v19 =	vld [tilespmem:$0x180B0];
	_ =	sdelay $0x4  }
0xaf: {  	v20 =	vshrl.u32 v19, $0x3  }
0xb0: {  	v20 =	vmul.u32 $0x30, v20  }
0xb1: {  	v19 =	vand.u32 $0x7, v19  }
0xb2: {  	v19 =	vor.u32 v19, v20  }
0xb3: {  	v20 =	vperm.xlane v19, v16;
	_ =	sdelay $0x1  }
0xb4: {  	v20 =	vadd.s32 v17, v20;
	_ =	sdelay $0x3  }
0xb5: {  	s11 =	simm.s32 $0x15000;
	v19 =	vperm.xlane v19, v18  }
0xb6: {  	[tilespmem:s11], [sflag:$0x2] =	stream.indirect_vreg.gather [hbm4b:s2+s3], $0x80, v20, vm0, $0xb8;
	[tilespmem:$0x18200] =	vst v63  }
0xb7: {  	s10 =	simm.s32 $0x15800;
	v19 =	vadd.s32 v17, v19  }
0xb8: {  	[tilespmem:s10], [sflag:$0x2] =	stream.indirect_vreg.gather [hbm4b:s5+s3], $0x80, v20, vm0, $0xb8;
	[tilespmem:$0x18200] =	vst v63  }
0xb9: {  	s11 =	simm.s32 $0x16000  }
0xba: {  	[tilespmem:s11], [sflag:$0x2] =	stream.indirect_vreg.gather [hbm4b:s6+s3], $0x80, v20, vm0, $0xb8;
	[tilespmem:$0x18200] =	vst v63  }
0xbb: {  	s10 =	simm.s32 $0x16800  }
0xbc: {  	[tilespmem:s10], [sflag:$0x2] =	stream.indirect_vreg.gather [hbm4b:s2+s3], $0x80, v19, vm0, $0xb8;
	[tilespmem:$0x18200] =	vst v63  }
0xbd: {  	s11 =	simm.s32 $0x17000  }
0xbe: {  	[tilespmem:s11], [sflag:$0x2] =	stream.indirect_vreg.gather [hbm4b:s5+s3], $0x80, v19, vm0, $0xb8;
	[tilespmem:$0x18200] =	vst v63  }
0xbf: {  	s0 =	simm.s32 $0x1;
	s10 =	simm.s32 $0x17800  }
0xc0: {  	[tilespmem:s10], [sflag:$0x2] =	stream.indirect_vreg.gather [hbm4b:s6+s3], $0x80, v19, vm0, $0xb8;
	[tilespmem:$0x18200] =	vst v63  }
0xc1: {  	_ =	swait.ge [sflag:s0], $0xC000  }
0xc2: {  	[sflag:s0] =	ssyncset.done $0x0  }
0xc3: {  	s11 =	rddreg [dreg:$0x12];
	[sflag:s0] =	ssyncadd.s32 $0xFFFF4000  }
0xc4: {  	[hbm4b:s11+s3] =	stream.linear.scatter [tilespmem:s3], [sflag:$0x3], $0xC000, $0x38;
	[tilespmem:$0x18200] =	vst v63  }
0xc5: {  	s10 =	rddreg [dreg:$0x3]  }
0xc6: {  	[hbm4b:s10+s3] =	stream.linear.scatter [tilespmem:s3], [sflag:$0x3], $0xC000, $0x38;
	[tilespmem:$0x18200] =	vst v63  }
0xc7: {  	s11 =	rddreg [dreg:$0x4]  }
0xc8: {  	[hbm4b:s11+s3] =	stream.linear.scatter [tilespmem:s3], [sflag:$0x3], $0xC000, $0x38;
	[tilespmem:$0x18200] =	vst v63  }
0xc9: {  	s10 =	rddreg [dreg:$0x5]  }
0xca: {  	[hbm4b:s10+s3] =	stream.linear.scatter [tilespmem:s3], [sflag:$0x3], $0xC000, $0x38;
	[tilespmem:$0x18200] =	vst v63  }
0xcb: {  	_ =	swait.ge [sflag:s1], $0xC000  }
0xcc: {  	[sflag:s1] =	ssyncset.done $0x0  }
0xcd: {  	s10 =	rddreg [dreg:$0x6];
	[sflag:s1] =	ssyncadd.s32 $0xFFFF4000  }
0xce: {  	[hbm4b:s10+s3] =	stream.linear.scatter [tilespmem:s4], [sflag:$0x4], $0xC000, $0x38;
	[tilespmem:$0x18200] =	vst v63  }
0xcf: {  	s11 =	rddreg [dreg:$0x7]  }
0xd0: {  	[hbm4b:s11+s3] =	stream.linear.scatter [tilespmem:s4], [sflag:$0x4], $0xC000, $0x38;
	[tilespmem:$0x18200] =	vst v63  }
0xd1: {  	s10 =	rddreg [dreg:$0x8]  }
0xd2: {  	[hbm4b:s10+s3] =	stream.linear.scatter [tilespmem:s4], [sflag:$0x4], $0xC000, $0x38;
	[tilespmem:$0x18200] =	vst v63  }
0xd3: {  	s11 =	rddreg [dreg:$0x9]  }
0xd4: {  	[hbm4b:s11+s3] =	stream.linear.scatter [tilespmem:s4], [sflag:$0x4], $0xC000, $0x38;
	[tilespmem:$0x18200] =	vst v63  }
0xd5: {  	_ =	swait.ge [sflag:s8], $0xC000  }
0xd6: {  	[sflag:s8] =	ssyncset.done $0x0  }
0xd7: {  	[sflag:s8] =	ssyncadd.s32 $0xFFFF4000  }
0xd8: {  	_ =	swait.ge [sflag:s8], $0xC000  }
0xd9: {  	[sflag:s8] =	ssyncset.done $0x0  }
0xda: {  	[sflag:s8] =	ssyncadd.s32 $0xFFFF4000  }
0xdb: {  	_ =	swait.ge [sflag:s8], $0xC000  }
0xdc: {  	[sflag:s8] =	ssyncset.done $0x0  }
0xdd: {  	[sflag:s8] =	ssyncadd.s32 $0xFFFF4000  }
0xde: {  	_ =	swait.ge [sflag:s8], $0xC000  }
0xdf: {  	[sflag:s8] =	ssyncset.done $0x0  }
0xe0: {  	[sflag:s8] =	ssyncadd.s32 $0xFFFF4000  }
0xe1: {  	v19 =	vld [tilespmem:$0x18100];
	_ =	sdelay $0x4  }
0xe2: {  	v20 =	vshrl.u32 v19, $0x3  }
0xe3: {  	v20 =	vmul.u32 $0x30, v20  }
0xe4: {  	v19 =	vand.u32 $0x7, v19  }
0xe5: {  	v19 =	vor.u32 v19, v20  }
0xe6: {  	v20 =	vperm.xlane v19, v16;
	_ =	sdelay $0x1  }
0xe7: {  	v20 =	vadd.s32 v17, v20;
	_ =	sdelay $0x3  }
0xe8: {  	v19 =	vperm.xlane v19, v18  }
0xe9: {  	[tilespmem:s3], [sflag:$0x1] =	stream.indirect_vreg.gather [hbm4b:s2+s3], $0x80, v20, vm0, $0xb8;
	[tilespmem:$0x18200] =	vst v63  }
0xea: {  	v19 =	vadd.s32 v17, v19  }
0xeb: {  	[tilespmem:s12], [sflag:$0x1] =	stream.indirect_vreg.gather [hbm4b:s5+s3], $0x80, v20, vm0, $0xb8;
	[tilespmem:$0x18200] =	vst v63  }
0xec: {  	_ = 	snop  }
0xed: {  	[tilespmem:s13], [sflag:$0x1] =	stream.indirect_vreg.gather [hbm4b:s6+s3], $0x80, v20, vm0, $0xb8;
	[tilespmem:$0x18200] =	vst v63  }
0xee: {  	_ = 	snop  }
0xef: {  	[tilespmem:s14], [sflag:$0x1] =	stream.indirect_vreg.gather [hbm4b:s2+s3], $0x80, v19, vm0, $0xb8;
	[tilespmem:$0x18200] =	vst v63  }
0xf0: {  	_ = 	snop  }
0xf1: {  	[tilespmem:s15], [sflag:$0x1] =	stream.indirect_vreg.gather [hbm4b:s5+s3], $0x80, v19, vm0, $0xb8;
	[tilespmem:$0x18200] =	vst v63  }
0xf2: {  	_ = 	snop  }
0xf3: {  	[tilespmem:s16], [sflag:$0x1] =	stream.indirect_vreg.gather [hbm4b:s6+s3], $0x80, v19, vm0, $0xb8;
	[tilespmem:$0x18200] =	vst v63  }
0xf4: {  	v19 =	vld [tilespmem:$0x18110];
	_ =	sdelay $0x4  }
0xf5: {  	v20 =	vshrl.u32 v19, $0x3  }
0xf6: {  	v20 =	vmul.u32 $0x30, v20  }
0xf7: {  	v19 =	vand.u32 $0x7, v19  }
0xf8: {  	v19 =	vor.u32 v19, v20  }
0xf9: {  	v20 =	vperm.xlane v19, v16;
	_ =	sdelay $0x1  }
0xfa: {  	v20 =	vadd.s32 v17, v20;
	_ =	sdelay $0x3  }
0xfb: {  	v19 =	vperm.xlane v19, v18  }
0xfc: {  	[tilespmem:s17], [sflag:$0x1] =	stream.indirect_vreg.gather [hbm4b:s2+s3], $0x80, v20, vm0, $0xb8;
	[tilespmem:$0x18200] =	vst v63  }
0xfd: {  	v19 =	vadd.s32 v17, v19  }
0xfe: {  	[tilespmem:s18], [sflag:$0x1] =	stream.indirect_vreg.gather [hbm4b:s5+s3], $0x80, v20, vm0, $0xb8;
	[tilespmem:$0x18200] =	vst v63  }
0xff: {  	_ = 	snop  }
0x100: {  	[tilespmem:s19], [sflag:$0x1] =	stream.indirect_vreg.gather [hbm4b:s6+s3], $0x80, v20, vm0, $0xb8;
	[tilespmem:$0x18200] =	vst v63  }
0x101: {  	_ = 	snop  }
0x102: {  	[tilespmem:s20], [sflag:$0x1] =	stream.indirect_vreg.gather [hbm4b:s2+s3], $0x80, v19, vm0, $0xb8;
	[tilespmem:$0x18200] =	vst v63  }
0x103: {  	_ = 	snop  }
0x104: {  	[tilespmem:s21], [sflag:$0x1] =	stream.indirect_vreg.gather [hbm4b:s5+s3], $0x80, v19, vm0, $0xb8;
	[tilespmem:$0x18200] =	vst v63  }
0x105: {  	_ = 	snop  }
0x106: {  	[tilespmem:s22], [sflag:$0x1] =	stream.indirect_vreg.gather [hbm4b:s6+s3], $0x80, v19, vm0, $0xb8;
	[tilespmem:$0x18200] =	vst v63  }
0x107: {  	v19 =	vld [tilespmem:$0x18120];
	_ =	sdelay $0x4  }
0x108: {  	v20 =	vshrl.u32 v19, $0x3  }
0x109: {  	v20 =	vmul.u32 $0x30, v20  }
0x10a: {  	v19 =	vand.u32 $0x7, v19  }
0x10b: {  	v19 =	vor.u32 v19, v20  }
0x10c: {  	v20 =	vperm.xlane v19, v16;
	_ =	sdelay $0x1  }
0x10d: {  	v20 =	vadd.s32 v17, v20;
	_ =	sdelay $0x3  }
0x10e: {  	v19 =	vperm.xlane v19, v18  }
0x10f: {  	[tilespmem:s23], [sflag:$0x1] =	stream.indirect_vreg.gather [hbm4b:s2+s3], $0x80, v20, vm0, $0xb8;
	[tilespmem:$0x18200] =	vst v63  }
0x110: {  	v19 =	vadd.s32 v17, v19  }
0x111: {  	[tilespmem:s24], [sflag:$0x1] =	stream.indirect_vreg.gather [hbm4b:s5+s3], $0x80, v20, vm0, $0xb8;
	[tilespmem:$0x18200] =	vst v63  }
0x112: {  	_ = 	snop  }
0x113: {  	[tilespmem:s25], [sflag:$0x1] =	stream.indirect_vreg.gather [hbm4b:s6+s3], $0x80, v20, vm0, $0xb8;
	[tilespmem:$0x18200] =	vst v63  }
0x114: {  	_ = 	snop  }
0x115: {  	[tilespmem:s26], [sflag:$0x1] =	stream.indirect_vreg.gather [hbm4b:s2+s3], $0x80, v19, vm0, $0xb8;
	[tilespmem:$0x18200] =	vst v63  }
0x116: {  	_ = 	snop  }
0x117: {  	[tilespmem:s28], [sflag:$0x1] =	stream.indirect_vreg.gather [hbm4b:s5+s3], $0x80, v19, vm0, $0xb8;
	[tilespmem:$0x18200] =	vst v63  }
0x118: {  	_ = 	snop  }
0x119: {  	[tilespmem:s29], [sflag:$0x1] =	stream.indirect_vreg.gather [hbm4b:s6+s3], $0x80, v19, vm0, $0xb8;
	[tilespmem:$0x18200] =	vst v63  }
0x11a: {  	v19 =	vld [tilespmem:$0x18130];
	_ =	sdelay $0x4  }
0x11b: {  	v20 =	vshrl.u32 v19, $0x3  }
0x11c: {  	v20 =	vmul.u32 $0x30, v20  }
0x11d: {  	v19 =	vand.u32 $0x7, v19  }
0x11e: {  	v19 =	vor.u32 v19, v20  }
0x11f: {  	v20 =	vperm.xlane v19, v16;
	_ =	sdelay $0x1  }
0x120: {  	v20 =	vadd.s32 v17, v20;
	_ =	sdelay $0x3  }
0x121: {  	v19 =	vperm.xlane v19, v18  }
0x122: {  	[tilespmem:s30], [sflag:$0x1] =	stream.indirect_vreg.gather [hbm4b:s2+s3], $0x80, v20, vm0, $0xb8;
	[tilespmem:$0x18200] =	vst v63  }
0x123: {  	s11 =	simm.s32 $0x9800;
	v19 =	vadd.s32 v17, v19  }
0x124: {  	[tilespmem:s11], [sflag:$0x1] =	stream.indirect_vreg.gather [hbm4b:s5+s3], $0x80, v20, vm0, $0xb8;
	[tilespmem:$0x18200] =	vst v63  }
0x125: {  	_ = 	snop  }
0x126: {  	[tilespmem:s31], [sflag:$0x1] =	stream.indirect_vreg.gather [hbm4b:s6+s3], $0x80, v20, vm0, $0xb8;
	[tilespmem:$0x18200] =	vst v63  }
0x127: {  	s11 =	simm.s32 $0xA800  }
0x128: {  	[tilespmem:s11], [sflag:$0x1] =	stream.indirect_vreg.gather [hbm4b:s2+s3], $0x80, v19, vm0, $0xb8;
	[tilespmem:$0x18200] =	vst v63  }
0x129: {  	s11 =	simm.s32 $0xB000  }
0x12a: {  	[tilespmem:s11], [sflag:$0x1] =	stream.indirect_vreg.gather [hbm4b:s5+s3], $0x80, v19, vm0, $0xb8;
	[tilespmem:$0x18200] =	vst v63  }
0x12b: {  	s11 =	simm.s32 $0xB800  }
0x12c: {  	[tilespmem:s11], [sflag:$0x1] =	stream.indirect_vreg.gather [hbm4b:s6+s3], $0x80, v19, vm0, $0xb8;
	[tilespmem:$0x18200] =	vst v63  }
0x12d: {  	_ =	swait.ge [sflag:s0], $0xC000  }
0x12e: {  	[sflag:s0] =	ssyncset.done $0x0  }
0x12f: {  	s11 =	rddreg [dreg:$0xa];
	[sflag:s0] =	ssyncadd.s32 $0xFFFF4000  }
0x130: {  	[hbm4b:s11+s3] =	stream.linear.scatter [tilespmem:s3], [sflag:$0x3], $0xC000, $0x38;
	[tilespmem:$0x18200] =	vst v63  }
0x131: {  	s0 =	rddreg [dreg:$0xb]  }
0x132: {  	[hbm4b:s0+s3] =	stream.linear.scatter [tilespmem:s3], [sflag:$0x3], $0xC000, $0x38;
	[tilespmem:$0x18200] =	vst v63  }
0x133: {  	s10 =	rddreg [dreg:$0xc]  }
0x134: {  	[hbm4b:s10+s3] =	stream.linear.scatter [tilespmem:s3], [sflag:$0x3], $0xC000, $0x38;
	[tilespmem:$0x18200] =	vst v63  }
0x135: {  	s0 =	rddreg [dreg:$0xd]  }
0x136: {  	[hbm4b:s0+s3] =	stream.linear.scatter [tilespmem:s3], [sflag:$0x3], $0xC000, $0x38;
	[tilespmem:$0x18200] =	vst v63  }
0x137: {  	_ =	swait.ge [sflag:s9], $0xC000  }
0x138: {  	[sflag:s9] =	ssyncset.done $0x0  }
0x139: {  	[sflag:s9] =	ssyncadd.s32 $0xFFFF4000  }
0x13a: {  	_ =	swait.ge [sflag:s9], $0xC000  }
0x13b: {  	[sflag:s9] =	ssyncset.done $0x0  }
0x13c: {  	[sflag:s9] =	ssyncadd.s32 $0xFFFF4000  }
0x13d: {  	_ =	swait.ge [sflag:s9], $0xC000  }
0x13e: {  	[sflag:s9] =	ssyncset.done $0x0  }
0x13f: {  	[sflag:s9] =	ssyncadd.s32 $0xFFFF4000  }
0x140: {  	_ =	swait.ge [sflag:s9], $0xC000  }
0x141: {  	[sflag:s9] =	ssyncset.done $0x0  }
0x142: {  	[sflag:s9] =	ssyncadd.s32 $0xFFFF4000  }
0x143: {  	v19 =	vld [tilespmem:$0x18180];
	_ =	sdelay $0x4  }
0x144: {  	v20 =	vshrl.u32 v19, $0x3  }
0x145: {  	v20 =	vmul.u32 $0x30, v20  }
0x146: {  	v19 =	vand.u32 $0x7, v19  }
0x147: {  	v19 =	vor.u32 v19, v20  }
0x148: {  	v20 =	vperm.xlane v19, v16;
	_ =	sdelay $0x1  }
0x149: {  	v20 =	vadd.s32 v17, v20;
	_ =	sdelay $0x3  }
0x14a: {  	v19 =	vperm.xlane v19, v18  }
0x14b: {  	[tilespmem:s4], [sflag:$0x2] =	stream.indirect_vreg.gather [hbm4b:s2+s3], $0x80, v20, vm0, $0xb8;
	[tilespmem:$0x18200] =	vst v63  }
0x14c: {  	s10 =	simm.s32 $0xC800;
	v19 =	vadd.s32 v17, v19  }
0x14d: {  	[tilespmem:s10], [sflag:$0x2] =	stream.indirect_vreg.gather [hbm4b:s5+s3], $0x80, v20, vm0, $0xb8;
	[tilespmem:$0x18200] =	vst v63  }
0x14e: {  	s11 =	simm.s32 $0xD000  }
0x14f: {  	[tilespmem:s11], [sflag:$0x2] =	stream.indirect_vreg.gather [hbm4b:s6+s3], $0x80, v20, vm0, $0xb8;
	[tilespmem:$0x18200] =	vst v63  }
0x150: {  	s10 =	simm.s32 $0xD800  }
0x151: {  	[tilespmem:s10], [sflag:$0x2] =	stream.indirect_vreg.gather [hbm4b:s2+s3], $0x80, v19, vm0, $0xb8;
	[tilespmem:$0x18200] =	vst v63  }
0x152: {  	s11 =	simm.s32 $0xE000  }
0x153: {  	[tilespmem:s11], [sflag:$0x2] =	stream.indirect_vreg.gather [hbm4b:s5+s3], $0x80, v19, vm0, $0xb8;
	[tilespmem:$0x18200] =	vst v63  }
0x154: {  	s10 =	simm.s32 $0xE800  }
0x155: {  	[tilespmem:s10], [sflag:$0x2] =	stream.indirect_vreg.gather [hbm4b:s6+s3], $0x80, v19, vm0, $0xb8;
	[tilespmem:$0x18200] =	vst v63  }
0x156: {  	v19 =	vld [tilespmem:$0x18190];
	_ =	sdelay $0x4  }
0x157: {  	v20 =	vshrl.u32 v19, $0x3  }
0x158: {  	v20 =	vmul.u32 $0x30, v20  }
0x159: {  	v19 =	vand.u32 $0x7, v19  }
0x15a: {  	v19 =	vor.u32 v19, v20  }
0x15b: {  	v20 =	vperm.xlane v19, v16;
	_ =	sdelay $0x1  }
0x15c: {  	v20 =	vadd.s32 v17, v20;
	_ =	sdelay $0x3  }
0x15d: {  	s11 =	simm.s32 $0xF000;
	v19 =	vperm.xlane v19, v18  }
0x15e: {  	[tilespmem:s11], [sflag:$0x2] =	stream.indirect_vreg.gather [hbm4b:s2+s3], $0x80, v20, vm0, $0xb8;
	[tilespmem:$0x18200] =	vst v63  }
0x15f: {  	s10 =	simm.s32 $0xF800;
	v19 =	vadd.s32 v17, v19  }
0x160: {  	[tilespmem:s10], [sflag:$0x2] =	stream.indirect_vreg.gather [hbm4b:s5+s3], $0x80, v20, vm0, $0xb8;
	[tilespmem:$0x18200] =	vst v63  }
0x161: {  	s11 =	simm.s32 $0x10000  }
0x162: {  	[tilespmem:s11], [sflag:$0x2] =	stream.indirect_vreg.gather [hbm4b:s6+s3], $0x80, v20, vm0, $0xb8;
	[tilespmem:$0x18200] =	vst v63  }
0x163: {  	s10 =	simm.s32 $0x10800  }
0x164: {  	[tilespmem:s10], [sflag:$0x2] =	stream.indirect_vreg.gather [hbm4b:s2+s3], $0x80, v19, vm0, $0xb8;
	[tilespmem:$0x18200] =	vst v63  }
0x165: {  	s11 =	simm.s32 $0x11000  }
0x166: {  	[tilespmem:s11], [sflag:$0x2] =	stream.indirect_vreg.gather [hbm4b:s5+s3], $0x80, v19, vm0, $0xb8;
	[tilespmem:$0x18200] =	vst v63  }
0x167: {  	s10 =	simm.s32 $0x11800  }
0x168: {  	[tilespmem:s10], [sflag:$0x2] =	stream.indirect_vreg.gather [hbm4b:s6+s3], $0x80, v19, vm0, $0xb8;
	[tilespmem:$0x18200] =	vst v63  }
0x169: {  	v19 =	vld [tilespmem:$0x181A0];
	_ =	sdelay $0x4  }
0x16a: {  	v20 =	vshrl.u32 v19, $0x3  }
0x16b: {  	v20 =	vmul.u32 $0x30, v20  }
0x16c: {  	v19 =	vand.u32 $0x7, v19  }
0x16d: {  	v19 =	vor.u32 v19, v20  }
0x16e: {  	v20 =	vperm.xlane v19, v16;
	_ =	sdelay $0x1  }
0x16f: {  	v20 =	vadd.s32 v17, v20;
	_ =	sdelay $0x3  }
0x170: {  	s11 =	simm.s32 $0x12000;
	v19 =	vperm.xlane v19, v18  }
0x171: {  	[tilespmem:s11], [sflag:$0x2] =	stream.indirect_vreg.gather [hbm4b:s2+s3], $0x80, v20, vm0, $0xb8;
	[tilespmem:$0x18200] =	vst v63  }
0x172: {  	s10 =	simm.s32 $0x12800;
	v19 =	vadd.s32 v17, v19  }
0x173: {  	[tilespmem:s10], [sflag:$0x2] =	stream.indirect_vreg.gather [hbm4b:s5+s3], $0x80, v20, vm0, $0xb8;
	[tilespmem:$0x18200] =	vst v63  }
0x174: {  	s11 =	simm.s32 $0x13000  }
0x175: {  	[tilespmem:s11], [sflag:$0x2] =	stream.indirect_vreg.gather [hbm4b:s6+s3], $0x80, v20, vm0, $0xb8;
	[tilespmem:$0x18200] =	vst v63  }
0x176: {  	s10 =	simm.s32 $0x13800  }
0x177: {  	[tilespmem:s10], [sflag:$0x2] =	stream.indirect_vreg.gather [hbm4b:s2+s3], $0x80, v19, vm0, $0xb8;
	[tilespmem:$0x18200] =	vst v63  }
0x178: {  	s11 =	simm.s32 $0x14000  }
0x179: {  	[tilespmem:s11], [sflag:$0x2] =	stream.indirect_vreg.gather [hbm4b:s5+s3], $0x80, v19, vm0, $0xb8;
	[tilespmem:$0x18200] =	vst v63  }
0x17a: {  	s10 =	simm.s32 $0x14800  }
0x17b: {  	[tilespmem:s10], [sflag:$0x2] =	stream.indirect_vreg.gather [hbm4b:s6+s3], $0x80, v19, vm0, $0xb8;
	[tilespmem:$0x18200] =	vst v63  }
0x17c: {  	v19 =	vld [tilespmem:$0x181B0];
	_ =	sdelay $0x4  }
0x17d: {  	v20 =	vshrl.u32 v19, $0x3  }
0x17e: {  	v20 =	vmul.u32 $0x30, v20  }
0x17f: {  	v19 =	vand.u32 $0x7, v19  }
0x180: {  	v19 =	vor.u32 v19, v20  }
0x181: {  	v20 =	vperm.xlane v19, v16;
	_ =	sdelay $0x1  }
0x182: {  	v20 =	vadd.s32 v17, v20;
	_ =	sdelay $0x3  }
0x183: {  	s11 =	simm.s32 $0x15000;
	v19 =	vperm.xlane v19, v18  }
0x184: {  	[tilespmem:s11], [sflag:$0x2] =	stream.indirect_vreg.gather [hbm4b:s2+s3], $0x80, v20, vm0, $0xb8;
	[tilespmem:$0x18200] =	vst v63  }
0x185: {  	s10 =	simm.s32 $0x15800;
	v19 =	vadd.s32 v17, v19  }
0x186: {  	[tilespmem:s10], [sflag:$0x2] =	stream.indirect_vreg.gather [hbm4b:s5+s3], $0x80, v20, vm0, $0xb8;
	[tilespmem:$0x18200] =	vst v63  }
0x187: {  	s11 =	simm.s32 $0x16000  }
0x188: {  	[tilespmem:s11], [sflag:$0x2] =	stream.indirect_vreg.gather [hbm4b:s6+s3], $0x80, v20, vm0, $0xb8;
	[tilespmem:$0x18200] =	vst v63  }
0x189: {  	s10 =	simm.s32 $0x16800  }
0x18a: {  	[tilespmem:s10], [sflag:$0x2] =	stream.indirect_vreg.gather [hbm4b:s2+s3], $0x80, v19, vm0, $0xb8;
	[tilespmem:$0x18200] =	vst v63  }
0x18b: {  	s11 =	simm.s32 $0x17000  }
0x18c: {  	[tilespmem:s11], [sflag:$0x2] =	stream.indirect_vreg.gather [hbm4b:s5+s3], $0x80, v19, vm0, $0xb8;
	[tilespmem:$0x18200] =	vst v63  }
0x18d: {  	s10 =	simm.s32 $0x17800  }
0x18e: {  	[tilespmem:s10], [sflag:$0x2] =	stream.indirect_vreg.gather [hbm4b:s6+s3], $0x80, v19, vm0, $0xb8;
	[tilespmem:$0x18200] =	vst v63  }
0x18f: {  	_ =	swait.ge [sflag:s1], $0xC000  }
0x190: {  	[sflag:s1] =	ssyncset.done $0x0  }
0x191: {  	s11 =	rddreg [dreg:$0xe];
	[sflag:s1] =	ssyncadd.s32 $0xFFFF4000  }
0x192: {  	[hbm4b:s11+s3] =	stream.linear.scatter [tilespmem:s4], [sflag:$0x4], $0xC000, $0x38;
	[tilespmem:$0x18200] =	vst v63  }
0x193: {  	s0 =	rddreg [dreg:$0xf]  }
0x194: {  	[hbm4b:s0+s3] =	stream.linear.scatter [tilespmem:s4], [sflag:$0x4], $0xC000, $0x38;
	[tilespmem:$0x18200] =	vst v63  }
0x195: {  	s10 =	rddreg [dreg:$0x10]  }
0x196: {  	[hbm4b:s10+s3] =	stream.linear.scatter [tilespmem:s4], [sflag:$0x4], $0xC000, $0x38;
	[tilespmem:$0x18200] =	vst v63  }
0x197: {  	s0 =	rddreg [dreg:$0x11]  }
0x198: {  	[hbm4b:s0+s3] =	stream.linear.scatter [tilespmem:s4], [sflag:$0x4], $0xC000, $0x38;
	[tilespmem:$0x18200] =	vst v63  }
0x199: {  	_ =	swait.ge [sflag:s8], $0xC000  }
0x19a: {  	[sflag:s8] =	ssyncset.done $0x0  }
0x19b: {  	[sflag:s8] =	ssyncadd.s32 $0xFFFF4000  }
0x19c: {  	_ =	swait.ge [sflag:s8], $0xC000  }
0x19d: {  	[sflag:s8] =	ssyncset.done $0x0  }
0x19e: {  	[sflag:s8] =	ssyncadd.s32 $0xFFFF4000  }
0x19f: {  	_ =	swait.ge [sflag:s8], $0xC000  }
0x1a0: {  	[sflag:s8] =	ssyncset.done $0x0  }
0x1a1: {  	[sflag:s8] =	ssyncadd.s32 $0xFFFF4000  }
0x1a2: {  	_ =	swait.ge [sflag:s8], $0xC000  }
0x1a3: {  	[sflag:s8] =	ssyncset.done $0x0  }
0x1a4: {  	[sflag:s8] =	ssyncadd.s32 $0xFFFF4000  }
0x1a5: {  	_ =	swait.ge [sflag:s9], $0xC000  }
0x1a6: {  	[sflag:s9] =	ssyncset.done $0x0  }
0x1a7: {  	[sflag:s9] =	ssyncadd.s32 $0xFFFF4000  }
0x1a8: {  	_ =	swait.ge [sflag:s9], $0xC000  }
0x1a9: {  	[sflag:s9] =	ssyncset.done $0x0  }
0x1aa: {  	[sflag:s9] =	ssyncadd.s32 $0xFFFF4000  }
0x1ab: {  	p0 =	sne.s32 s7, $0x1;
	_ =	swait.ge [sflag:s9], $0xC000  }
.Ltmp0:
0x1ac: {  	[sflag:s9] =	ssyncset.done $0x0;
	(pc) =	sbr.rel @p0 .LBB2_1-.Ltmp0, $4  }
0x1ad: {  	[sflag:s9] =	ssyncadd.s32 $0xFFFF4000  }
0x1ae: {  	_ =	swait.ge [sflag:s9], $0xC000  }
0x1af: {  	[sflag:s9] =	ssyncset.done $0x0  }
0x1b0: {  	s7 =	sadd.s32 $0xFFFFFFFF, s7;
	[sflag:s9] =	ssyncadd.s32 $0xFFFF4000  }
0x1b1: {  	_ =	sfence.sel $0x180000  }
0x1b2: {  	[bflag:$0x0] =	sbarrier.arrive $0xFFFF  }
0x1b3: {  	_ =	strace $0x90000047  }
0x1b4: {  	s0 =	stileid.u32;
	[bflag:$0x2] =	sbarrier.arrive $0xFFFF  }
0x1b5: {  	p0 =	sne.s32 s0, $0x0;
	s0 =	rddreg [dreg:$0x2]  }
0x1b6: {  	s0 =	sadd.s32 @!p0 $0x100000, s0  }
0x1b7: {  	[sflag:s0] =	ssyncadd.tile.s32 @!p0 $0x1;
	_ =	shalt  }
.Lfunc_end2:
_tile_overlayer_lowered:
.L_overlay_start_2:
0x1b8: {  	(tag) =	ssettag $0x2  }
0x1b9: {  	s0 =	rddreg [dreg:$0x0];
	s2 =	stileid.u32  }
0x1ba: {  	s1 =	rddreg [dreg:$0x1];
	p0 =	sne.s32 s2, $0x0  }
0x1bb: {  	s3 =	rddreg [dreg:$0x2];
	[bflag:$0x3] =	sbarrier.arrive $0xFFFF;
	s2 =	simm.s32 @!p0 $0x1C05  }
0x1bc: {  	[timem:s3], [sflag:s2] =	dma.local @!p0 [hbm:s0], s1  }
0x1bd: {  	s0 =	simm.s32 @!p0 $0x5  }
0x1be: {  	_ =	swait.ge @!p0 [sflag:s0], s1  }
0x1bf: {  	s1 =	ssub.s32 @!p0 $0x0, s1;
	[sflag:s0] =	ssyncset.done @!p0 $0x0  }
0x1c0: {  	[sflag:s0] =	ssyncadd.s32 @!p0 s1  }
0x1c1: {  	[bflag:$0x3] =	sbarrier.arrive $0xFFFF  }
0x1c2: {  	_ =	shalt  }

</sc_bundles>
